<compile_context>
chip_gen: v7x
topology: tpu7x:2x2x1
jax: 0.10.2.dev20260603
libtpu: 0.0.44.dev20260713+nightly
codegen_flags: <defaults>
</compile_context>

<pallas_src>
import functools

import jax
import jax.numpy as jnp
from jax import lax
from jax.experimental import pallas as pl
from jax.experimental.pallas import tpu as pltpu
from jax.experimental.pallas import tpu_sc as plsc

NUM_PAGES = 2048
PAGE_SIZE = 64
KV_DIM = 256
MAX_SEQS = 64
PAGES_PER_SEQ = 64
MAX_SEQ_LEN = 4096


_BP = 32
_NCH = NUM_PAGES // _BP
_L = 8
_M = 8
_K = _L + _M


def _tc_body(meta_s, seq_lens_s, pi_s, cache_a, cache_out_a,
             bufs, pbuf, in_sems, out_sems, psem):

    def in_copy(c):
        k = jax.lax.rem(c, _K)
        return pltpu.make_async_copy(
            cache_a.at[pl.ds(c * _BP, _BP)], bufs.at[k], in_sems.at[k])

    def out_copy(c):
        k = jax.lax.rem(c, _K)
        return pltpu.make_async_copy(
            bufs.at[k], cache_out_a.at[pl.ds(c * _BP, _BP)], out_sems.at[k])

    for c in range(_L):
        in_copy(c).start()

    def step(c, carry):
        @pl.when(c >= _M)
        def _():
            out_copy(c - _M).wait()

        @pl.when(c + _L < _NCH)
        def _():
            in_copy(c + _L).start()

        in_copy(c).wait()
        out_copy(c).start()
        return carry

    jax.lax.fori_loop(0, _NCH, step, 0)

    parent = meta_s[0]
    fresh = meta_s[1]
    src_len = seq_lens_s[parent]
    safe_last = jnp.maximum((src_len + PAGE_SIZE - 1) // PAGE_SIZE - 1, 0)
    has_partial = jnp.logical_and(src_len % PAGE_SIZE != 0, src_len > 0)
    src_page = pi_s[parent, safe_last]
    dst_page = jnp.where(has_partial, fresh, src_page)

    def drain(c, carry):
        out_copy(c).wait()
        return carry
    jax.lax.fori_loop(max(_NCH - _M, 0), _NCH, drain, 0)

    fin = pltpu.make_async_copy(cache_a.at[pl.ds(src_page, 1)], pbuf, psem)
    fin.start()
    fin.wait()
    fout = pltpu.make_async_copy(pbuf, cache_out_a.at[pl.ds(dst_page, 1)], psem)
    fout.start()
    fout.wait()


def _clone_cache(cache, meta, seq_lens, page_indices):
    return pl.pallas_call(
        _tc_body,
        in_specs=[
            pl.BlockSpec(memory_space=pltpu.SMEM),
            pl.BlockSpec(memory_space=pltpu.SMEM),
            pl.BlockSpec(memory_space=pltpu.SMEM),
            pl.BlockSpec(memory_space=pl.ANY),
        ],
        out_specs=pl.BlockSpec(memory_space=pl.ANY),
        out_shape=jax.ShapeDtypeStruct(cache.shape, cache.dtype),
        scratch_shapes=[
            pltpu.VMEM((_K, _BP, PAGE_SIZE, KV_DIM), jnp.float32),
            pltpu.VMEM((1, PAGE_SIZE, KV_DIM), jnp.float32),
            pltpu.SemaphoreType.DMA((_K,)),
            pltpu.SemaphoreType.DMA((_K,)),
            pltpu.SemaphoreType.DMA,
        ],
        compiler_params=pltpu.CompilerParams(
            vmem_limit_bytes=128 * 1024 * 1024),
    )(meta, seq_lens, page_indices, cache)



_NW = 32
_RPW = MAX_SEQS // _NW


def _sc_body(tokens_h, seq_h, pi_h, meta_h,
             tokens_o, seq_o, pi_o,
             ridx, tbuf, pbuf, piv, mv, sv, sov):
    cid = lax.axis_index("c")
    sid = lax.axis_index("s")
    wid = sid * 2 + cid

    pltpu.sync_copy(meta_h, mv)
    pltpu.sync_copy(seq_h, sv)
    pltpu.sync_copy(pi_h, piv)
    lanes = lax.iota(jnp.int32, 16)
    zeros16 = jnp.zeros((16,), jnp.int32)
    parent_v = plsc.load_gather(mv, [zeros16 + 1])
    child_v = plsc.load_gather(mv, [zeros16 + 2])
    fresh_v = plsc.load_gather(mv, [zeros16 + 3])

    src_len_v = plsc.load_gather(sv, [parent_v])
    last_v = (src_len_v + PAGE_SIZE - 1) // PAGE_SIZE - 1
    safe_last_v = jnp.maximum(last_v, 0)
    partial_v = jnp.logical_and(src_len_v % PAGE_SIZE != 0, src_len_v > 0)

    rows_v = wid * _RPW + lanes
    rsel_v = jnp.where(rows_v == child_v, parent_v, rows_v)
    plsc.store_scatter(ridx, [lanes], rsel_v, mask=lanes < _RPW)
    pltpu.sync_copy(tokens_h.at[ridx], tbuf)
    pltpu.sync_copy(tbuf, tokens_o.at[pl.ds(wid * _RPW, _RPW)])

    for r_off in range(_RPW):
        r = wid * _RPW + r_off
        rsrc_v = jnp.where(r == child_v, parent_v, zeros16 + r)
        is_child_v = jnp.logical_and(r == child_v, partial_v)
        for j in range(PAGES_PER_SEQ // 16):
            v = plsc.load_gather(piv, [rsrc_v, lanes + 16 * j])
            mask = jnp.logical_and(lanes + 16 * j == safe_last_v, is_child_v)
            pbuf[r_off, pl.ds(16 * j, 16)] = jnp.where(mask, fresh_v, v)
    pltpu.sync_copy(pbuf, pi_o.at[pl.ds(wid * _RPW, _RPW)])

    @pl.when(wid == 0)
    def _seq():
        for j in range(MAX_SEQS // 16):
            slj = sv[pl.ds(16 * j, 16)]
            sov[pl.ds(16 * j, 16)] = jnp.where(lanes + 16 * j == child_v,
                                               src_len_v, slj)
        pltpu.sync_copy(sov, seq_o)


def _clone_metadata(tokens, seq_lens, page_indices, meta16):
    mesh = plsc.VectorSubcoreMesh(core_axis_name="c", subcore_axis_name="s")
    sck = functools.partial(
        pl.kernel,
        mesh=mesh,
        compiler_params=pltpu.CompilerParams(needs_layout_passes=False),
        out_type=[
            jax.ShapeDtypeStruct(tokens.shape, tokens.dtype),
            jax.ShapeDtypeStruct(seq_lens.shape, seq_lens.dtype),
            jax.ShapeDtypeStruct(page_indices.shape, page_indices.dtype),
        ],
        scratch_types=[
            pltpu.VMEM((_RPW,), jnp.int32),
            pltpu.VMEM((_RPW, MAX_SEQ_LEN), jnp.int32),
            pltpu.VMEM((_RPW, PAGES_PER_SEQ), jnp.int32),
            pltpu.VMEM((MAX_SEQS, PAGES_PER_SEQ), jnp.int32),
            pltpu.VMEM((16,), jnp.int32),
            pltpu.VMEM((MAX_SEQS,), jnp.int32),
            pltpu.VMEM((MAX_SEQS,), jnp.int32),
        ],
    )(_sc_body)
    return sck(tokens, seq_lens, page_indices, meta16)


def kernel(cache, tokens, seq_lens, page_indices, parent_local_id,
           child_local_id, fresh_page):
    parent = jnp.asarray(parent_local_id, jnp.int32)
    child = jnp.asarray(child_local_id, jnp.int32)
    fresh = jnp.asarray(fresh_page, jnp.int32)
    meta_tc = jnp.stack([parent, fresh])
    meta16 = jnp.pad(jnp.stack([parent, child, fresh]), (1, 12))

    tokens_out, seq_lens_out, pi_out = _clone_metadata(
        tokens, seq_lens, page_indices, meta16)
    cache_out = _clone_cache(cache, meta_tc, seq_lens, page_indices)
    return (cache_out, tokens_out, seq_lens_out, pi_out)

# --- scband reference (transcript-rebuilt; emitter-appended) ---
"""Pipeline reference for scband-gen-state-36773509988482 (READ-ONLY COPY).

The authoritative reference and input builder live on the scoring server;
editing this copy changes nothing except your own understanding.
"""

import jax, jax.numpy as jnp
import numpy as np

NUM_PAGES = 2048
PAGE_SIZE = 64
KV_DIM = 256
MAX_SEQS = 64
PAGES_PER_SEQ = 64
MAX_SEQ_LEN = 4096


def setup_inputs(seed: int = 0) -> dict:
    key = jax.random.key(seed)
    k1, k2, k3, k4 = jax.random.split(key, 4)
    cache = jax.random.normal(k1, (NUM_PAGES, PAGE_SIZE, KV_DIM), dtype=jnp.float32)
    tokens = jax.random.randint(k2, (MAX_SEQS, MAX_SEQ_LEN), 0, 32000, dtype=jnp.int32)
    seq_lens = jax.random.randint(k3, (MAX_SEQS,), 0, 4096, dtype=jnp.int32)
    page_indices = jax.random.randint(k4, (MAX_SEQS, PAGES_PER_SEQ), 0, NUM_PAGES, dtype=jnp.int32)
    return {
        'cache': cache,
        'tokens': tokens,
        'seq_lens': seq_lens,
        'page_indices': page_indices,
        'parent_local_id': 3,
        'child_local_id': 7,
        'fresh_page': 100,
    }


def reference(cache, tokens, seq_lens, page_indices, parent_local_id, child_local_id, fresh_page):
    """Faithful translation of GenState.clone_sequence / _clone_sequence.

    1. assign_seq: copy parent's tokens, seq_len, page_indices into the child slot.
    2. clone_pages_from: child shares all full pages; last partial page (if any)
       gets a fresh physical page index.
    3. cache.copy_page: physically copy the parent's partial last page into the
       child's fresh page (scatter-overwrite into the paged KV cache).
    """
    parent = jnp.asarray(parent_local_id, dtype=jnp.int32)
    child = jnp.asarray(child_local_id, dtype=jnp.int32)
    fresh = jnp.asarray(fresh_page, dtype=jnp.int32)

    # assign_seq: tokens + seq_len
    tokens = tokens.at[child].set(tokens[parent])
    src_len = seq_lens[parent]
    seq_lens = seq_lens.at[child].set(src_len)

    # clone page table: share full pages, fresh last partial page
    parent_pages = page_indices[parent]
    last_idx = (src_len + PAGE_SIZE - 1) // PAGE_SIZE - 1
    safe_last_idx = jnp.maximum(last_idx, 0)
    has_partial = (src_len % PAGE_SIZE != 0) & (src_len > 0)

    child_pages_with_fresh = parent_pages.at[safe_last_idx].set(fresh)
    child_pages = jnp.where(has_partial, child_pages_with_fresh, parent_pages)
    page_indices = page_indices.at[child].set(child_pages)

    # cache.copy_page(src_page, dst_page) under lax.cond, as in _clone_sequence
    src_page = parent_pages[safe_last_idx]
    dst_page = child_pages[safe_last_idx]

    def _copy(c):
        return c.at[dst_page].set(c[src_page])

    def _identity(c):
        return c

    cache = jax.lax.cond(has_partial, _copy, _identity, cache)
    return (cache, tokens, seq_lens, page_indices)


if False:  # reference __main__ guard neutralized (emitter)
    out = reference(**setup_inputs())
    print([o.shape for o in out])

if __name__ == "__main__":
    import jax
    _d = setup_inputs()
    print(jax.jit(kernel)(*tuple(_d.values())))

</pallas_src>

<mosaic_0001>
#map = affine_map<(d0, d1) -> (0, 0)>
#map1 = affine_map<(d0, d1) -> (0)>
module attributes {stable_mosaic.version = 14 : i64} {
  func.func @_sc_body(%arg0: i32, %arg1: i32, %arg2: memref<64x4096xi32, #tpu.memory_space<hbm>>, %arg3: memref<64xi32, #tpu.memory_space<hbm>>, %arg4: memref<64x64xi32, #tpu.memory_space<hbm>>, %arg5: memref<16xi32, #tpu.memory_space<hbm>>, %arg6: memref<64x4096xi32, #tpu.memory_space<hbm>>, %arg7: memref<64xi32, #tpu.memory_space<hbm>>, %arg8: memref<64x64xi32, #tpu.memory_space<hbm>>, %arg9: memref<2xi32, #tpu.memory_space<vmem>>, %arg10: memref<2x4096xi32, #tpu.memory_space<vmem>>, %arg11: memref<2x64xi32, #tpu.memory_space<vmem>>, %arg12: memref<64x64xi32, #tpu.memory_space<vmem>>, %arg13: memref<16xi32, #tpu.memory_space<vmem>>, %arg14: memref<64xi32, #tpu.memory_space<vmem>>, %arg15: memref<64xi32, #tpu.memory_space<vmem>>) attributes {dimension_semantics = [#tpu.dimension_semantics<core_parallel>, #tpu.dimension_semantics<subcore_parallel>], iteration_bounds = array<i64: 2, 16>, scalar_prefetch = 0 : i64, scratch_operands = 7 : i64, tpu.core_type = #tpu.core_type<sc_vector_subcore>, window_params = [{transform_indices = #map}, {transform_indices = #map1}, {transform_indices = #map}, {transform_indices = #map1}, {transform_indices = #map}, {transform_indices = #map1}, {transform_indices = #map}]} {
    %mul3A = arith.constant 2 : i32
    %mul3A_0 = arith.muli %arg1, %mul3A : i32
    %add3A = arith.addi %mul3A_0, %arg0 : i32
    "tpu.region"() ({
      %run_scoped3A = tpu.sem_alloc : memref<!tpu.dma_semaphore, #tpu.memory_space<semaphore_mem>>
      tpu.enqueue_dma source(%arg5 : memref<16xi32, #tpu.memory_space<hbm>>) target(%arg13 : memref<16xi32, #tpu.memory_space<vmem>>) target_semaphore(%run_scoped3A : memref<!tpu.dma_semaphore, #tpu.memory_space<semaphore_mem>>)
      tpu.wait_dma2 semaphore(%run_scoped3A : memref<!tpu.dma_semaphore, #tpu.memory_space<semaphore_mem>>) src(%arg5 : memref<16xi32, #tpu.memory_space<hbm>>) dst(%arg13 : memref<16xi32, #tpu.memory_space<vmem>>)
      tpu.yield
    }) : () -> ()
    "tpu.region"() ({
      %run_scoped3A = tpu.sem_alloc : memref<!tpu.dma_semaphore, #tpu.memory_space<semaphore_mem>>
      tpu.enqueue_dma source(%arg3 : memref<64xi32, #tpu.memory_space<hbm>>) target(%arg14 : memref<64xi32, #tpu.memory_space<vmem>>) target_semaphore(%run_scoped3A : memref<!tpu.dma_semaphore, #tpu.memory_space<semaphore_mem>>)
      tpu.wait_dma2 semaphore(%run_scoped3A : memref<!tpu.dma_semaphore, #tpu.memory_space<semaphore_mem>>) src(%arg3 : memref<64xi32, #tpu.memory_space<hbm>>) dst(%arg14 : memref<64xi32, #tpu.memory_space<vmem>>)
      tpu.yield
    }) : () -> ()
    "tpu.region"() ({
      %run_scoped3A = tpu.sem_alloc : memref<!tpu.dma_semaphore, #tpu.memory_space<semaphore_mem>>
      tpu.enqueue_dma source(%arg4 : memref<64x64xi32, #tpu.memory_space<hbm>>) target(%arg12 : memref<64x64xi32, #tpu.memory_space<vmem>>) target_semaphore(%run_scoped3A : memref<!tpu.dma_semaphore, #tpu.memory_space<semaphore_mem>>)
      tpu.wait_dma2 semaphore(%run_scoped3A : memref<!tpu.dma_semaphore, #tpu.memory_space<semaphore_mem>>) src(%arg4 : memref<64x64xi32, #tpu.memory_space<hbm>>) dst(%arg12 : memref<64x64xi32, #tpu.memory_space<vmem>>)
      tpu.yield
    }) : () -> ()
    %iota3A = tpu.iota {dimensions = array<i32: 0>} : vector<16xi32>
    %broadcast_in_dim3A = arith.constant 0 : i32
    %broadcast_in_dim3A_1 = vector.broadcast %broadcast_in_dim3A : i32 to vector<16xi32>
    %add3A_2 = arith.constant 1 : i32
    %add3A_3 = vector.broadcast %add3A_2 : i32 to vector<16xi32>
    %add3A_4 = arith.addi %broadcast_in_dim3A_1, %add3A_3 : vector<16xi32>
    %gather3A = tpu.vector_load_idx %arg13[%add3A_4] : memref<16xi32, #tpu.memory_space<vmem>>[vector<16xi32>], vector<16xi32>,
    %add3A_5 = arith.constant 2 : i32
    %add3A_6 = vector.broadcast %add3A_5 : i32 to vector<16xi32>
    %add3A_7 = arith.addi %broadcast_in_dim3A_1, %add3A_6 : vector<16xi32>
    %gather3A_8 = tpu.vector_load_idx %arg13[%add3A_7] : memref<16xi32, #tpu.memory_space<vmem>>[vector<16xi32>], vector<16xi32>,
    %add3A_9 = arith.constant 3 : i32
    %add3A_10 = vector.broadcast %add3A_9 : i32 to vector<16xi32>
    %add3A_11 = arith.addi %broadcast_in_dim3A_1, %add3A_10 : vector<16xi32>
    %gather3A_12 = tpu.vector_load_idx %arg13[%add3A_11] : memref<16xi32, #tpu.memory_space<vmem>>[vector<16xi32>], vector<16xi32>,
    %gather3A_13 = tpu.vector_load_idx %arg14[%gather3A] : memref<64xi32, #tpu.memory_space<vmem>>[vector<16xi32>], vector<16xi32>,
    %add3A_14 = arith.constant 64 : i32
    %add3A_15 = vector.broadcast %add3A_14 : i32 to vector<16xi32>
    %add3A_16 = arith.addi %gather3A_13, %add3A_15 : vector<16xi32>
    %sub3A = arith.constant 1 : i32
    %sub3A_17 = vector.broadcast %sub3A : i32 to vector<16xi32>
    %sub3A_18 = arith.subi %add3A_16, %sub3A_17 : vector<16xi32>
    %jit3A = arith.constant 64 : i32
    %div3A = vector.broadcast %jit3A : i32 to vector<16xi32>
    %div3A_19 = arith.divsi %sub3A_18, %div3A : vector<16xi32>
    %sign3A = arith.constant 0 : i32
    %sign3A_20 = vector.broadcast %sign3A : i32 to vector<16xi32>
    %sign3A_21 = arith.cmpi sgt, %sub3A_18, %sign3A_20 : vector<16xi32>
    %sign3A_22 = arith.extui %sign3A_21 : vector<16xi1> to vector<16xi32>
    %sign3A_23 = arith.constant 0 : i32
    %sign3A_24 = vector.broadcast %sign3A_23 : i32 to vector<16xi32>
    %sign3A_25 = arith.cmpi slt, %sub3A_18, %sign3A_24 : vector<16xi32>
    %sign3A_26 = arith.extui %sign3A_25 : vector<16xi1> to vector<16xi32>
    %sign3A_27 = arith.subi %sign3A_22, %sign3A_26 : vector<16xi32>
    %sign3A_28 = arith.constant 0 : i32
    %sign3A_29 = arith.cmpi sgt, %jit3A, %sign3A_28 : i32
    %sign3A_30 = arith.extui %sign3A_29 : i1 to i32
    %sign3A_31 = arith.constant 0 : i32
    %sign3A_32 = arith.cmpi slt, %jit3A, %sign3A_31 : i32
    %sign3A_33 = arith.extui %sign3A_32 : i1 to i32
    %sign3A_34 = arith.subi %sign3A_30, %sign3A_33 : i32
    %ne3A = vector.broadcast %sign3A_34 : i32 to vector<16xi32>
    %ne3A_35 = arith.cmpi ne, %sign3A_27, %ne3A : vector<16xi32>
    %rem3A = vector.broadcast %jit3A : i32 to vector<16xi32>
    %rem3A_36 = arith.remsi %sub3A_18, %rem3A : vector<16xi32>
    %ne3A_37 = arith.constant 0 : i32
    %ne3A_38 = vector.broadcast %ne3A_37 : i32 to vector<16xi32>
    %ne3A_39 = arith.cmpi ne, %rem3A_36, %ne3A_38 : vector<16xi32>
    %and3A = arith.andi %ne3A_35, %ne3A_39 : vector<16xi1>
    %sub3A_40 = arith.constant 1 : i32
    %sub3A_41 = vector.broadcast %sub3A_40 : i32 to vector<16xi32>
    %sub3A_42 = arith.subi %div3A_19, %sub3A_41 : vector<16xi32>
    %select_n3A = arith.select %and3A, %sub3A_42, %div3A_19 : vector<16xi1>, vector<16xi32>
    %sub3A_43 = arith.constant 1 : i32
    %sub3A_44 = vector.broadcast %sub3A_43 : i32 to vector<16xi32>
    %sub3A_45 = arith.subi %select_n3A, %sub3A_44 : vector<16xi32>
    %max3A = arith.constant 0 : i32
    %max3A_46 = vector.broadcast %max3A : i32 to vector<16xi32>
    %max3A_47 = arith.maxsi %sub3A_45, %max3A_46 : vector<16xi32>
    %jit3A_48 = arith.constant 64 : i32
    %eq3A = arith.constant 0 : i32
    %eq3A_49 = arith.cmpi eq, %jit3A_48, %eq3A : i32
    %jit3A_50 = arith.constant 1 : i32
    %select_n3A_51 = arith.select %eq3A_49, %jit3A_50, %jit3A_48 : i32
    %rem3A_52 = vector.broadcast %select_n3A_51 : i32 to vector<16xi32>
    %rem3A_53 = arith.remsi %gather3A_13, %rem3A_52 : vector<16xi32>
    %ne3A_54 = arith.constant 0 : i32
    %ne3A_55 = vector.broadcast %ne3A_54 : i32 to vector<16xi32>
    %ne3A_56 = arith.cmpi ne, %rem3A_53, %ne3A_55 : vector<16xi32>
    %lt3A = arith.constant 0 : i32
    %lt3A_57 = vector.broadcast %lt3A : i32 to vector<16xi32>
    %lt3A_58 = arith.cmpi slt, %rem3A_53, %lt3A_57 : vector<16xi32>
    %lt3A_59 = arith.constant 0 : i32
    %lt3A_60 = arith.cmpi slt, %select_n3A_51, %lt3A_59 : i32
    %ne3A_61 = vector.broadcast %lt3A_60 : i1 to vector<16xi1>
    %ne3A_62 = vector.broadcast %ne3A_61 : vector<16xi1> to vector<16xi1>
    %ne3A_63 = arith.xori %lt3A_58, %ne3A_62 : vector<16xi1>
    %and3A_64 = arith.andi %ne3A_63, %ne3A_56 : vector<16xi1>
    %add3A_65 = vector.broadcast %select_n3A_51 : i32 to vector<16xi32>
    %add3A_66 = arith.addi %rem3A_53, %add3A_65 : vector<16xi32>
    %select_n3A_67 = arith.select %and3A_64, %add3A_66, %rem3A_53 : vector<16xi1>, vector<16xi32>
    %ne3A_68 = arith.constant 0 : i32
    %ne3A_69 = vector.broadcast %ne3A_68 : i32 to vector<16xi32>
    %ne3A_70 = arith.cmpi ne, %select_n3A_67, %ne3A_69 : vector<16xi32>
    %gt3A = arith.constant 0 : i32
    %gt3A_71 = vector.broadcast %gt3A : i32 to vector<16xi32>
    %gt3A_72 = arith.cmpi sgt, %gather3A_13, %gt3A_71 : vector<16xi32>
    %and3A_73 = arith.andi %ne3A_70, %gt3A_72 : vector<16xi1>
    %mul3A_74 = arith.constant 2 : i32
    %mul3A_75 = arith.muli %add3A, %mul3A_74 : i32
    %add3A_76 = vector.broadcast %mul3A_75 : i32 to vector<16xi32>
    %add3A_77 = arith.addi %add3A_76, %iota3A : vector<16xi32>
    %eq3A_78 = arith.cmpi eq, %add3A_77, %gather3A_8 : vector<16xi32>
    %select_n3A_79 = arith.select %eq3A_78, %gather3A, %add3A_77 : vector<16xi1>, vector<16xi32>
    %lt3A_80 = arith.constant 2 : i32
    %lt3A_81 = vector.broadcast %lt3A_80 : i32 to vector<16xi32>
    %lt3A_82 = arith.cmpi slt, %iota3A, %lt3A_81 : vector<16xi32>
    tpu.vector_store_idx %arg9[%iota3A], %select_n3A_79 masked %lt3A_82 : memref<2xi32, #tpu.memory_space<vmem>>[vector<16xi32>], vector<16xi32>, vector<16xi1>
    "tpu.region"() ({
      %run_scoped3A = tpu.sem_alloc : memref<!tpu.dma_semaphore, #tpu.memory_space<semaphore_mem>>
      %dma_start3A = arith.constant 0 : i32
      %dma_start3A_225 = arith.constant 0 : i32
      %dma_start3A_226 = tpu.memref_slice %arg2[%dma_start3A, %dma_start3A_225] : memref<64x4096xi32, #tpu.memory_space<hbm>> -> memref<64x4096xi32, #tpu.memory_space<hbm>>
      tpu.enqueue_indirect_dma source(%dma_start3A_226 : memref<64x4096xi32, #tpu.memory_space<hbm>>) target(%arg10 : memref<2x4096xi32, #tpu.memory_space<vmem>>) offsets(%arg9 : memref<2xi32, #tpu.memory_space<vmem>>) semaphore(%run_scoped3A : memref<!tpu.dma_semaphore, #tpu.memory_space<semaphore_mem>>)
      %dma_wait3A = arith.constant 0 : i32
      %dma_wait3A_227 = arith.constant 0 : i32
      %dma_wait3A_228 = tpu.memref_slice %arg2[%dma_wait3A, %dma_wait3A_227] : memref<64x4096xi32, #tpu.memory_space<hbm>> -> memref<64x4096xi32, #tpu.memory_space<hbm>>
      tpu.wait_indirect_dma semaphore(%run_scoped3A : memref<!tpu.dma_semaphore, #tpu.memory_space<semaphore_mem>>) src(%dma_wait3A_228 : memref<64x4096xi32, #tpu.memory_space<hbm>>) dst(%arg10 : memref<2x4096xi32, #tpu.memory_space<vmem>>)
      tpu.yield
    }) : () -> ()
    %mul3A_83 = arith.constant 2 : i32
    %mul3A_84 = arith.muli %add3A, %mul3A_83 : i32
    "tpu.region"() ({
      %run_scoped3A = tpu.sem_alloc : memref<!tpu.dma_semaphore, #tpu.memory_space<semaphore_mem>>
      %dma_start3A = arith.constant 0 : i32
      %dma_start3A_225 = tpu.memref_slice %arg6[%mul3A_84, %dma_start3A] : memref<64x4096xi32, #tpu.memory_space<hbm>> -> memref<2x4096xi32, #tpu.memory_space<hbm>>
      %dma_start3A_226 = arith.constant 0 : i32
      %dma_start3A_227 = tpu.memref_slice %arg6[%mul3A_84, %dma_start3A_226] : memref<64x4096xi32, #tpu.memory_space<hbm>> -> memref<2x4096xi32, #tpu.memory_space<hbm>>
      tpu.enqueue_dma source(%arg10 : memref<2x4096xi32, #tpu.memory_space<vmem>>) target(%dma_start3A_227 : memref<2x4096xi32, #tpu.memory_space<hbm>>) target_semaphore(%run_scoped3A : memref<!tpu.dma_semaphore, #tpu.memory_space<semaphore_mem>>)
      %dma_wait3A = arith.constant 0 : i32
      %dma_wait3A_228 = tpu.memref_slice %arg6[%mul3A_84, %dma_wait3A] : memref<64x4096xi32, #tpu.memory_space<hbm>> -> memref<2x4096xi32, #tpu.memory_space<hbm>>
      %dma_wait3A_229 = arith.constant 0 : i32
      %dma_wait3A_230 = tpu.memref_slice %arg6[%mul3A_84, %dma_wait3A_229] : memref<64x4096xi32, #tpu.memory_space<hbm>> -> memref<2x4096xi32, #tpu.memory_space<hbm>>
      tpu.wait_dma2 semaphore(%run_scoped3A : memref<!tpu.dma_semaphore, #tpu.memory_space<semaphore_mem>>) src(%arg10 : memref<2x4096xi32, #tpu.memory_space<vmem>>) dst(%dma_wait3A_230 : memref<2x4096xi32, #tpu.memory_space<hbm>>)
      tpu.yield
    }) : () -> ()
    %mul3A_85 = arith.constant 2 : i32
    %mul3A_86 = arith.muli %add3A, %mul3A_85 : i32
    %add3A_87 = arith.constant 0 : i32
    %add3A_88 = arith.addi %mul3A_86, %add3A_87 : i32
    %eq3A_89 = vector.broadcast %add3A_88 : i32 to vector<16xi32>
    %eq3A_90 = arith.cmpi eq, %eq3A_89, %gather3A_8 : vector<16xi32>
    %add3A_91 = vector.broadcast %add3A_88 : i32 to vector<16xi32>
    %add3A_92 = arith.addi %broadcast_in_dim3A_1, %add3A_91 : vector<16xi32>
    %select_n3A_93 = arith.select %eq3A_90, %gather3A, %add3A_92 : vector<16xi1>, vector<16xi32>
    %eq3A_94 = vector.broadcast %add3A_88 : i32 to vector<16xi32>
    %eq3A_95 = arith.cmpi eq, %eq3A_94, %gather3A_8 : vector<16xi32>
    %and3A_96 = arith.andi %eq3A_95, %and3A_73 : vector<16xi1>
    %add3A_97 = arith.constant 0 : i32
    %add3A_98 = vector.broadcast %add3A_97 : i32 to vector<16xi32>
    %add3A_99 = arith.addi %iota3A, %add3A_98 : vector<16xi32>
    %gather3A_100 = tpu.vector_load_idx %arg12[%select_n3A_93, %add3A_99] : memref<64x64xi32, #tpu.memory_space<vmem>>[vector<16xi32>, vector<16xi32>], vector<16xi32>,
    %add3A_101 = arith.constant 0 : i32
    %add3A_102 = vector.broadcast %add3A_101 : i32 to vector<16xi32>
    %add3A_103 = arith.addi %iota3A, %add3A_102 : vector<16xi32>
    %eq3A_104 = arith.cmpi eq, %add3A_103, %max3A_47 : vector<16xi32>
    %and3A_105 = arith.andi %eq3A_104, %and3A_96 : vector<16xi1>
    %select_n3A_106 = arith.select %and3A_105, %gather3A_12, %gather3A_100 : vector<16xi1>, vector<16xi32>
    %swap3A = arith.constant 0 : i32
    %swap3A_107 = arith.index_cast %swap3A : i32 to index
    %swap3A_108 = arith.constant 0 : index
    %swap3A_109 = tpu.vector_load %arg11[%swap3A_107, %swap3A_108] {strides = array<i32>} : memref<2x64xi32, #tpu.memory_space<vmem>>, vector<16xi32>,
    tpu.vector_store %arg11[%swap3A_107, %swap3A_108], %select_n3A_106 {strides = array<i32>} : memref<2x64xi32, #tpu.memory_space<vmem>>, vector<16xi32>,
    %add3A_110 = arith.constant 16 : i32
    %add3A_111 = vector.broadcast %add3A_110 : i32 to vector<16xi32>
    %add3A_112 = arith.addi %iota3A, %add3A_111 : vector<16xi32>
    %gather3A_113 = tpu.vector_load_idx %arg12[%select_n3A_93, %add3A_112] : memref<64x64xi32, #tpu.memory_space<vmem>>[vector<16xi32>, vector<16xi32>], vector<16xi32>,
    %add3A_114 = arith.constant 16 : i32
    %add3A_115 = vector.broadcast %add3A_114 : i32 to vector<16xi32>
    %add3A_116 = arith.addi %iota3A, %add3A_115 : vector<16xi32>
    %eq3A_117 = arith.cmpi eq, %add3A_116, %max3A_47 : vector<16xi32>
    %and3A_118 = arith.andi %eq3A_117, %and3A_96 : vector<16xi1>
    %select_n3A_119 = arith.select %and3A_118, %gather3A_12, %gather3A_113 : vector<16xi1>, vector<16xi32>
    %swap3A_120 = arith.constant 0 : i32
    %swap3A_121 = arith.index_cast %swap3A_120 : i32 to index
    %swap3A_122 = arith.constant 16 : index
    %swap3A_123 = tpu.vector_load %arg11[%swap3A_121, %swap3A_122] {strides = array<i32>} : memref<2x64xi32, #tpu.memory_space<vmem>>, vector<16xi32>,
    tpu.vector_store %arg11[%swap3A_121, %swap3A_122], %select_n3A_119 {strides = array<i32>} : memref<2x64xi32, #tpu.memory_space<vmem>>, vector<16xi32>,
    %add3A_124 = arith.constant 32 : i32
    %add3A_125 = vector.broadcast %add3A_124 : i32 to vector<16xi32>
    %add3A_126 = arith.addi %iota3A, %add3A_125 : vector<16xi32>
    %gather3A_127 = tpu.vector_load_idx %arg12[%select_n3A_93, %add3A_126] : memref<64x64xi32, #tpu.memory_space<vmem>>[vector<16xi32>, vector<16xi32>], vector<16xi32>,
    %add3A_128 = arith.constant 32 : i32
    %add3A_129 = vector.broadcast %add3A_128 : i32 to vector<16xi32>
    %add3A_130 = arith.addi %iota3A, %add3A_129 : vector<16xi32>
    %eq3A_131 = arith.cmpi eq, %add3A_130, %max3A_47 : vector<16xi32>
    %and3A_132 = arith.andi %eq3A_131, %and3A_96 : vector<16xi1>
    %select_n3A_133 = arith.select %and3A_132, %gather3A_12, %gather3A_127 : vector<16xi1>, vector<16xi32>
    %swap3A_134 = arith.constant 0 : i32
    %swap3A_135 = arith.index_cast %swap3A_134 : i32 to index
    %swap3A_136 = arith.constant 32 : index
    %swap3A_137 = tpu.vector_load %arg11[%swap3A_135, %swap3A_136] {strides = array<i32>} : memref<2x64xi32, #tpu.memory_space<vmem>>, vector<16xi32>,
    tpu.vector_store %arg11[%swap3A_135, %swap3A_136], %select_n3A_133 {strides = array<i32>} : memref<2x64xi32, #tpu.memory_space<vmem>>, vector<16xi32>,
    %add3A_138 = arith.constant 48 : i32
    %add3A_139 = vector.broadcast %add3A_138 : i32 to vector<16xi32>
    %add3A_140 = arith.addi %iota3A, %add3A_139 : vector<16xi32>
    %gather3A_141 = tpu.vector_load_idx %arg12[%select_n3A_93, %add3A_140] : memref<64x64xi32, #tpu.memory_space<vmem>>[vector<16xi32>, vector<16xi32>], vector<16xi32>,
    %add3A_142 = arith.constant 48 : i32
    %add3A_143 = vector.broadcast %add3A_142 : i32 to vector<16xi32>
    %add3A_144 = arith.addi %iota3A, %add3A_143 : vector<16xi32>
    %eq3A_145 = arith.cmpi eq, %add3A_144, %max3A_47 : vector<16xi32>
    %and3A_146 = arith.andi %eq3A_145, %and3A_96 : vector<16xi1>
    %select_n3A_147 = arith.select %and3A_146, %gather3A_12, %gather3A_141 : vector<16xi1>, vector<16xi32>
    %swap3A_148 = arith.constant 0 : i32
    %swap3A_149 = arith.index_cast %swap3A_148 : i32 to index
    %swap3A_150 = arith.constant 48 : index
    %swap3A_151 = tpu.vector_load %arg11[%swap3A_149, %swap3A_150] {strides = array<i32>} : memref<2x64xi32, #tpu.memory_space<vmem>>, vector<16xi32>,
    tpu.vector_store %arg11[%swap3A_149, %swap3A_150], %select_n3A_147 {strides = array<i32>} : memref<2x64xi32, #tpu.memory_space<vmem>>, vector<16xi32>,
    %mul3A_152 = arith.constant 2 : i32
    %mul3A_153 = arith.muli %add3A, %mul3A_152 : i32
    %add3A_154 = arith.constant 1 : i32
    %add3A_155 = arith.addi %mul3A_153, %add3A_154 : i32
    %eq3A_156 = vector.broadcast %add3A_155 : i32 to vector<16xi32>
    %eq3A_157 = arith.cmpi eq, %eq3A_156, %gather3A_8 : vector<16xi32>
    %add3A_158 = vector.broadcast %add3A_155 : i32 to vector<16xi32>
    %add3A_159 = arith.addi %broadcast_in_dim3A_1, %add3A_158 : vector<16xi32>
    %select_n3A_160 = arith.select %eq3A_157, %gather3A, %add3A_159 : vector<16xi1>, vector<16xi32>
    %eq3A_161 = vector.broadcast %add3A_155 : i32 to vector<16xi32>
    %eq3A_162 = arith.cmpi eq, %eq3A_161, %gather3A_8 : vector<16xi32>
    %and3A_163 = arith.andi %eq3A_162, %and3A_73 : vector<16xi1>
    %add3A_164 = arith.constant 0 : i32
    %add3A_165 = vector.broadcast %add3A_164 : i32 to vector<16xi32>
    %add3A_166 = arith.addi %iota3A, %add3A_165 : vector<16xi32>
    %gather3A_167 = tpu.vector_load_idx %arg12[%select_n3A_160, %add3A_166] : memref<64x64xi32, #tpu.memory_space<vmem>>[vector<16xi32>, vector<16xi32>], vector<16xi32>,
    %add3A_168 = arith.constant 0 : i32
    %add3A_169 = vector.broadcast %add3A_168 : i32 to vector<16xi32>
    %add3A_170 = arith.addi %iota3A, %add3A_169 : vector<16xi32>
    %eq3A_171 = arith.cmpi eq, %add3A_170, %max3A_47 : vector<16xi32>
    %and3A_172 = arith.andi %eq3A_171, %and3A_163 : vector<16xi1>
    %select_n3A_173 = arith.select %and3A_172, %gather3A_12, %gather3A_167 : vector<16xi1>, vector<16xi32>
    %swap3A_174 = arith.constant 1 : i32
    %swap3A_175 = arith.index_cast %swap3A_174 : i32 to index
    %swap3A_176 = arith.constant 0 : index
    %swap3A_177 = tpu.vector_load %arg11[%swap3A_175, %swap3A_176] {strides = array<i32>} : memref<2x64xi32, #tpu.memory_space<vmem>>, vector<16xi32>,
    tpu.vector_store %arg11[%swap3A_175, %swap3A_176], %select_n3A_173 {strides = array<i32>} : memref<2x64xi32, #tpu.memory_space<vmem>>, vector<16xi32>,
    %add3A_178 = arith.constant 16 : i32
    %add3A_179 = vector.broadcast %add3A_178 : i32 to vector<16xi32>
    %add3A_180 = arith.addi %iota3A, %add3A_179 : vector<16xi32>
    %gather3A_181 = tpu.vector_load_idx %arg12[%select_n3A_160, %add3A_180] : memref<64x64xi32, #tpu.memory_space<vmem>>[vector<16xi32>, vector<16xi32>], vector<16xi32>,
    %add3A_182 = arith.constant 16 : i32
    %add3A_183 = vector.broadcast %add3A_182 : i32 to vector<16xi32>
    %add3A_184 = arith.addi %iota3A, %add3A_183 : vector<16xi32>
    %eq3A_185 = arith.cmpi eq, %add3A_184, %max3A_47 : vector<16xi32>
    %and3A_186 = arith.andi %eq3A_185, %and3A_163 : vector<16xi1>
    %select_n3A_187 = arith.select %and3A_186, %gather3A_12, %gather3A_181 : vector<16xi1>, vector<16xi32>
    %swap3A_188 = arith.constant 1 : i32
    %swap3A_189 = arith.index_cast %swap3A_188 : i32 to index
    %swap3A_190 = arith.constant 16 : index
    %swap3A_191 = tpu.vector_load %arg11[%swap3A_189, %swap3A_190] {strides = array<i32>} : memref<2x64xi32, #tpu.memory_space<vmem>>, vector<16xi32>,
    tpu.vector_store %arg11[%swap3A_189, %swap3A_190], %select_n3A_187 {strides = array<i32>} : memref<2x64xi32, #tpu.memory_space<vmem>>, vector<16xi32>,
    %add3A_192 = arith.constant 32 : i32
    %add3A_193 = vector.broadcast %add3A_192 : i32 to vector<16xi32>
    %add3A_194 = arith.addi %iota3A, %add3A_193 : vector<16xi32>
    %gather3A_195 = tpu.vector_load_idx %arg12[%select_n3A_160, %add3A_194] : memref<64x64xi32, #tpu.memory_space<vmem>>[vector<16xi32>, vector<16xi32>], vector<16xi32>,
    %add3A_196 = arith.constant 32 : i32
    %add3A_197 = vector.broadcast %add3A_196 : i32 to vector<16xi32>
    %add3A_198 = arith.addi %iota3A, %add3A_197 : vector<16xi32>
    %eq3A_199 = arith.cmpi eq, %add3A_198, %max3A_47 : vector<16xi32>
    %and3A_200 = arith.andi %eq3A_199, %and3A_163 : vector<16xi1>
    %select_n3A_201 = arith.select %and3A_200, %gather3A_12, %gather3A_195 : vector<16xi1>, vector<16xi32>
    %swap3A_202 = arith.constant 1 : i32
    %swap3A_203 = arith.index_cast %swap3A_202 : i32 to index
    %swap3A_204 = arith.constant 32 : index
    %swap3A_205 = tpu.vector_load %arg11[%swap3A_203, %swap3A_204] {strides = array<i32>} : memref<2x64xi32, #tpu.memory_space<vmem>>, vector<16xi32>,
    tpu.vector_store %arg11[%swap3A_203, %swap3A_204], %select_n3A_201 {strides = array<i32>} : memref<2x64xi32, #tpu.memory_space<vmem>>, vector<16xi32>,
    %add3A_206 = arith.constant 48 : i32
    %add3A_207 = vector.broadcast %add3A_206 : i32 to vector<16xi32>
    %add3A_208 = arith.addi %iota3A, %add3A_207 : vector<16xi32>
    %gather3A_209 = tpu.vector_load_idx %arg12[%select_n3A_160, %add3A_208] : memref<64x64xi32, #tpu.memory_space<vmem>>[vector<16xi32>, vector<16xi32>], vector<16xi32>,
    %add3A_210 = arith.constant 48 : i32
    %add3A_211 = vector.broadcast %add3A_210 : i32 to vector<16xi32>
    %add3A_212 = arith.addi %iota3A, %add3A_211 : vector<16xi32>
    %eq3A_213 = arith.cmpi eq, %add3A_212, %max3A_47 : vector<16xi32>
    %and3A_214 = arith.andi %eq3A_213, %and3A_163 : vector<16xi1>
    %select_n3A_215 = arith.select %and3A_214, %gather3A_12, %gather3A_209 : vector<16xi1>, vector<16xi32>
    %swap3A_216 = arith.constant 1 : i32
    %swap3A_217 = arith.index_cast %swap3A_216 : i32 to index
    %swap3A_218 = arith.constant 48 : index
    %swap3A_219 = tpu.vector_load %arg11[%swap3A_217, %swap3A_218] {strides = array<i32>} : memref<2x64xi32, #tpu.memory_space<vmem>>, vector<16xi32>,
    tpu.vector_store %arg11[%swap3A_217, %swap3A_218], %select_n3A_215 {strides = array<i32>} : memref<2x64xi32, #tpu.memory_space<vmem>>, vector<16xi32>,
    %mul3A_220 = arith.constant 2 : i32
    %mul3A_221 = arith.muli %add3A, %mul3A_220 : i32
    "tpu.region"() ({
      %run_scoped3A = tpu.sem_alloc : memref<!tpu.dma_semaphore, #tpu.memory_space<semaphore_mem>>
      %dma_start3A = arith.constant 0 : i32
      %dma_start3A_225 = tpu.memref_slice %arg8[%mul3A_221, %dma_start3A] : memref<64x64xi32, #tpu.memory_space<hbm>> -> memref<2x64xi32, #tpu.memory_space<hbm>>
      %dma_start3A_226 = arith.constant 0 : i32
      %dma_start3A_227 = tpu.memref_slice %arg8[%mul3A_221, %dma_start3A_226] : memref<64x64xi32, #tpu.memory_space<hbm>> -> memref<2x64xi32, #tpu.memory_space<hbm>>
      tpu.enqueue_dma source(%arg11 : memref<2x64xi32, #tpu.memory_space<vmem>>) target(%dma_start3A_227 : memref<2x64xi32, #tpu.memory_space<hbm>>) target_semaphore(%run_scoped3A : memref<!tpu.dma_semaphore, #tpu.memory_space<semaphore_mem>>)
      %dma_wait3A = arith.constant 0 : i32
      %dma_wait3A_228 = tpu.memref_slice %arg8[%mul3A_221, %dma_wait3A] : memref<64x64xi32, #tpu.memory_space<hbm>> -> memref<2x64xi32, #tpu.memory_space<hbm>>
      %dma_wait3A_229 = arith.constant 0 : i32
      %dma_wait3A_230 = tpu.memref_slice %arg8[%mul3A_221, %dma_wait3A_229] : memref<64x64xi32, #tpu.memory_space<hbm>> -> memref<2x64xi32, #tpu.memory_space<hbm>>
      tpu.wait_dma2 semaphore(%run_scoped3A : memref<!tpu.dma_semaphore, #tpu.memory_space<semaphore_mem>>) src(%arg11 : memref<2x64xi32, #tpu.memory_space<vmem>>) dst(%dma_wait3A_230 : memref<2x64xi32, #tpu.memory_space<hbm>>)
      tpu.yield
    }) : () -> ()
    %eq3A_222 = arith.constant 0 : i32
    %eq3A_223 = arith.cmpi eq, %add3A, %eq3A_222 : i32
    %convert_element_type3A = arith.extui %eq3A_223 : i1 to i32
    %cond3A = arith.constant 0 : i32
    %cond3A_224 = arith.cmpi ne, %convert_element_type3A, %cond3A : i32
    scf.if %cond3A_224 {
      %get3A = arith.constant 0 : index
      %get3A_225 = tpu.vector_load %arg14[%get3A] {strides = array<i32>} : memref<64xi32, #tpu.memory_space<vmem>>, vector<16xi32>,
      %add3A_226 = arith.constant 0 : i32
      %add3A_227 = vector.broadcast %add3A_226 : i32 to vector<16xi32>
      %add3A_228 = arith.addi %iota3A, %add3A_227 : vector<16xi32>
      %eq3A_229 = arith.cmpi eq, %add3A_228, %gather3A_8 : vector<16xi32>
      %select_n3A_230 = arith.select %eq3A_229, %gather3A_13, %get3A_225 : vector<16xi1>, vector<16xi32>
      %swap3A_231 = arith.constant 0 : index
      %swap3A_232 = tpu.vector_load %arg15[%swap3A_231] {strides = array<i32>} : memref<64xi32, #tpu.memory_space<vmem>>, vector<16xi32>,
      tpu.vector_store %arg15[%swap3A_231], %select_n3A_230 {strides = array<i32>} : memref<64xi32, #tpu.memory_space<vmem>>, vector<16xi32>,
      %get3A_233 = arith.constant 16 : index
      %get3A_234 = tpu.vector_load %arg14[%get3A_233] {strides = array<i32>} : memref<64xi32, #tpu.memory_space<vmem>>, vector<16xi32>,
      %add3A_235 = arith.constant 16 : i32
      %add3A_236 = vector.broadcast %add3A_235 : i32 to vector<16xi32>
      %add3A_237 = arith.addi %iota3A, %add3A_236 : vector<16xi32>
      %eq3A_238 = arith.cmpi eq, %add3A_237, %gather3A_8 : vector<16xi32>
      %select_n3A_239 = arith.select %eq3A_238, %gather3A_13, %get3A_234 : vector<16xi1>, vector<16xi32>
      %swap3A_240 = arith.constant 16 : index
      %swap3A_241 = tpu.vector_load %arg15[%swap3A_240] {strides = array<i32>} : memref<64xi32, #tpu.memory_space<vmem>>, vector<16xi32>,
      tpu.vector_store %arg15[%swap3A_240], %select_n3A_239 {strides = array<i32>} : memref<64xi32, #tpu.memory_space<vmem>>, vector<16xi32>,
      %get3A_242 = arith.constant 32 : index
      %get3A_243 = tpu.vector_load %arg14[%get3A_242] {strides = array<i32>} : memref<64xi32, #tpu.memory_space<vmem>>, vector<16xi32>,
      %add3A_244 = arith.constant 32 : i32
      %add3A_245 = vector.broadcast %add3A_244 : i32 to vector<16xi32>
      %add3A_246 = arith.addi %iota3A, %add3A_245 : vector<16xi32>
      %eq3A_247 = arith.cmpi eq, %add3A_246, %gather3A_8 : vector<16xi32>
      %select_n3A_248 = arith.select %eq3A_247, %gather3A_13, %get3A_243 : vector<16xi1>, vector<16xi32>
      %swap3A_249 = arith.constant 32 : index
      %swap3A_250 = tpu.vector_load %arg15[%swap3A_249] {strides = array<i32>} : memref<64xi32, #tpu.memory_space<vmem>>, vector<16xi32>,
      tpu.vector_store %arg15[%swap3A_249], %select_n3A_248 {strides = array<i32>} : memref<64xi32, #tpu.memory_space<vmem>>, vector<16xi32>,
      %get3A_251 = arith.constant 48 : index
      %get3A_252 = tpu.vector_load %arg14[%get3A_251] {strides = array<i32>} : memref<64xi32, #tpu.memory_space<vmem>>, vector<16xi32>,
      %add3A_253 = arith.constant 48 : i32
      %add3A_254 = vector.broadcast %add3A_253 : i32 to vector<16xi32>
      %add3A_255 = arith.addi %iota3A, %add3A_254 : vector<16xi32>
      %eq3A_256 = arith.cmpi eq, %add3A_255, %gather3A_8 : vector<16xi32>
      %select_n3A_257 = arith.select %eq3A_256, %gather3A_13, %get3A_252 : vector<16xi1>, vector<16xi32>
      %swap3A_258 = arith.constant 48 : index
      %swap3A_259 = tpu.vector_load %arg15[%swap3A_258] {strides = array<i32>} : memref<64xi32, #tpu.memory_space<vmem>>, vector<16xi32>,
      tpu.vector_store %arg15[%swap3A_258], %select_n3A_257 {strides = array<i32>} : memref<64xi32, #tpu.memory_space<vmem>>, vector<16xi32>,
      "tpu.region"() ({
        %run_scoped3A = tpu.sem_alloc : memref<!tpu.dma_semaphore, #tpu.memory_space<semaphore_mem>>
        tpu.enqueue_dma source(%arg15 : memref<64xi32, #tpu.memory_space<vmem>>) target(%arg7 : memref<64xi32, #tpu.memory_space<hbm>>) target_semaphore(%run_scoped3A : memref<!tpu.dma_semaphore, #tpu.memory_space<semaphore_mem>>)
        tpu.wait_dma2 semaphore(%run_scoped3A : memref<!tpu.dma_semaphore, #tpu.memory_space<semaphore_mem>>) src(%arg15 : memref<64xi32, #tpu.memory_space<vmem>>) dst(%arg7 : memref<64xi32, #tpu.memory_space<hbm>>)
        tpu.yield
      }) : () -> ()
    } else {
    }
    return
  }
}

module attributes {stable_mosaic.version = 14 : i64} {
  func.func @_tc_body(%arg0: memref<2xi32, #tpu.memory_space<smem>>, %arg1: memref<64xi32, #tpu.memory_space<smem>>, %arg2: memref<64x64xi32, #tpu.memory_space<smem>>, %arg3: memref<2048x64x256xf32, #tpu.memory_space<any>>, %arg4: memref<2048x64x256xf32, #tpu.memory_space<any>>, %arg5: memref<16x32x64x256xf32, #tpu.memory_space<vmem>>, %arg6: memref<1x64x256xf32, #tpu.memory_space<vmem>>, %arg7: memref<16x!tpu.dma_semaphore, #tpu.memory_space<semaphore_mem>>, %arg8: memref<16x!tpu.dma_semaphore, #tpu.memory_space<semaphore_mem>>, %arg9: memref<!tpu.dma_semaphore, #tpu.memory_space<semaphore_mem>>) attributes {dimension_semantics = [], scalar_prefetch = 0 : i64, scratch_operands = 5 : i64, tpu.core_type = #tpu.core_type<tc>} {
    %rem3A = arith.constant 0 : i32
    %rem3A_0 = arith.constant 16 : i32
    %rem3A_1 = arith.remsi %rem3A, %rem3A_0 : i32
    %dma_start3A = tpu.memref_slice %arg7[%rem3A_1] : memref<16x!tpu.dma_semaphore, #tpu.memory_space<semaphore_mem>> -> memref<1x!tpu.dma_semaphore, #tpu.memory_space<semaphore_mem>>
    %dma_start3A_2 = tpu.memref_squeeze %dma_start3A : memref<1x!tpu.dma_semaphore, #tpu.memory_space<semaphore_mem>> -> memref<!tpu.dma_semaphore, #tpu.memory_space<semaphore_mem>>
    %dma_start3A_3 = arith.constant 0 : i32
    %dma_start3A_4 = arith.constant 0 : i32
    %dma_start3A_5 = arith.constant 0 : i32
    %dma_start3A_6 = tpu.memref_slice %arg5[%rem3A_1, %dma_start3A_3, %dma_start3A_4, %dma_start3A_5] : memref<16x32x64x256xf32, #tpu.memory_space<vmem>> -> memref<1x32x64x256xf32, #tpu.memory_space<vmem>>
    %dma_start3A_7 = tpu.memref_squeeze %dma_start3A_6 : memref<1x32x64x256xf32, #tpu.memory_space<vmem>> -> memref<32x64x256xf32, #tpu.memory_space<vmem>>
    %dma_start3A_8 = arith.constant 0 : i32
    %dma_start3A_9 = arith.constant 0 : i32
    %dma_start3A_10 = arith.constant 0 : i32
    %dma_start3A_11 = tpu.memref_slice %arg3[%dma_start3A_8, %dma_start3A_9, %dma_start3A_10] : memref<2048x64x256xf32, #tpu.memory_space<any>> -> memref<32x64x256xf32, #tpu.memory_space<any>>
    tpu.enqueue_dma source(%dma_start3A_11 : memref<32x64x256xf32, #tpu.memory_space<any>>) target(%dma_start3A_7 : memref<32x64x256xf32, #tpu.memory_space<vmem>>) target_semaphore(%dma_start3A_2 : memref<!tpu.dma_semaphore, #tpu.memory_space<semaphore_mem>>)
    %rem3A_12 = arith.constant 1 : i32
    %rem3A_13 = arith.constant 16 : i32
    %rem3A_14 = arith.remsi %rem3A_12, %rem3A_13 : i32
    %dma_start3A_15 = tpu.memref_slice %arg7[%rem3A_14] : memref<16x!tpu.dma_semaphore, #tpu.memory_space<semaphore_mem>> -> memref<1x!tpu.dma_semaphore, #tpu.memory_space<semaphore_mem>>
    %dma_start3A_16 = tpu.memref_squeeze %dma_start3A_15 : memref<1x!tpu.dma_semaphore, #tpu.memory_space<semaphore_mem>> -> memref<!tpu.dma_semaphore, #tpu.memory_space<semaphore_mem>>
    %dma_start3A_17 = arith.constant 0 : i32
    %dma_start3A_18 = arith.constant 0 : i32
    %dma_start3A_19 = arith.constant 0 : i32
    %dma_start3A_20 = tpu.memref_slice %arg5[%rem3A_14, %dma_start3A_17, %dma_start3A_18, %dma_start3A_19] : memref<16x32x64x256xf32, #tpu.memory_space<vmem>> -> memref<1x32x64x256xf32, #tpu.memory_space<vmem>>
    %dma_start3A_21 = tpu.memref_squeeze %dma_start3A_20 : memref<1x32x64x256xf32, #tpu.memory_space<vmem>> -> memref<32x64x256xf32, #tpu.memory_space<vmem>>
    %dma_start3A_22 = arith.constant 32 : i32
    %dma_start3A_23 = arith.constant 0 : i32
    %dma_start3A_24 = arith.constant 0 : i32
    %dma_start3A_25 = tpu.memref_slice %arg3[%dma_start3A_22, %dma_start3A_23, %dma_start3A_24] : memref<2048x64x256xf32, #tpu.memory_space<any>> -> memref<32x64x256xf32, #tpu.memory_space<any>>
    tpu.enqueue_dma source(%dma_start3A_25 : memref<32x64x256xf32, #tpu.memory_space<any>>) target(%dma_start3A_21 : memref<32x64x256xf32, #tpu.memory_space<vmem>>) target_semaphore(%dma_start3A_16 : memref<!tpu.dma_semaphore, #tpu.memory_space<semaphore_mem>>)
    %rem3A_26 = arith.constant 2 : i32
    %rem3A_27 = arith.constant 16 : i32
    %rem3A_28 = arith.remsi %rem3A_26, %rem3A_27 : i32
    %dma_start3A_29 = tpu.memref_slice %arg7[%rem3A_28] : memref<16x!tpu.dma_semaphore, #tpu.memory_space<semaphore_mem>> -> memref<1x!tpu.dma_semaphore, #tpu.memory_space<semaphore_mem>>
    %dma_start3A_30 = tpu.memref_squeeze %dma_start3A_29 : memref<1x!tpu.dma_semaphore, #tpu.memory_space<semaphore_mem>> -> memref<!tpu.dma_semaphore, #tpu.memory_space<semaphore_mem>>
    %dma_start3A_31 = arith.constant 0 : i32
    %dma_start3A_32 = arith.constant 0 : i32
    %dma_start3A_33 = arith.constant 0 : i32
    %dma_start3A_34 = tpu.memref_slice %arg5[%rem3A_28, %dma_start3A_31, %dma_start3A_32, %dma_start3A_33] : memref<16x32x64x256xf32, #tpu.memory_space<vmem>> -> memref<1x32x64x256xf32, #tpu.memory_space<vmem>>
    %dma_start3A_35 = tpu.memref_squeeze %dma_start3A_34 : memref<1x32x64x256xf32, #tpu.memory_space<vmem>> -> memref<32x64x256xf32, #tpu.memory_space<vmem>>
    %dma_start3A_36 = arith.constant 64 : i32
    %dma_start3A_37 = arith.constant 0 : i32
    %dma_start3A_38 = arith.constant 0 : i32
    %dma_start3A_39 = tpu.memref_slice %arg3[%dma_start3A_36, %dma_start3A_37, %dma_start3A_38] : memref<2048x64x256xf32, #tpu.memory_space<any>> -> memref<32x64x256xf32, #tpu.memory_space<any>>
    tpu.enqueue_dma source(%dma_start3A_39 : memref<32x64x256xf32, #tpu.memory_space<any>>) target(%dma_start3A_35 : memref<32x64x256xf32, #tpu.memory_space<vmem>>) target_semaphore(%dma_start3A_30 : memref<!tpu.dma_semaphore, #tpu.memory_space<semaphore_mem>>)
    %rem3A_40 = arith.constant 3 : i32
    %rem3A_41 = arith.constant 16 : i32
    %rem3A_42 = arith.remsi %rem3A_40, %rem3A_41 : i32
    %dma_start3A_43 = tpu.memref_slice %arg7[%rem3A_42] : memref<16x!tpu.dma_semaphore, #tpu.memory_space<semaphore_mem>> -> memref<1x!tpu.dma_semaphore, #tpu.memory_space<semaphore_mem>>
    %dma_start3A_44 = tpu.memref_squeeze %dma_start3A_43 : memref<1x!tpu.dma_semaphore, #tpu.memory_space<semaphore_mem>> -> memref<!tpu.dma_semaphore, #tpu.memory_space<semaphore_mem>>
    %dma_start3A_45 = arith.constant 0 : i32
    %dma_start3A_46 = arith.constant 0 : i32
    %dma_start3A_47 = arith.constant 0 : i32
    %dma_start3A_48 = tpu.memref_slice %arg5[%rem3A_42, %dma_start3A_45, %dma_start3A_46, %dma_start3A_47] : memref<16x32x64x256xf32, #tpu.memory_space<vmem>> -> memref<1x32x64x256xf32, #tpu.memory_space<vmem>>
    %dma_start3A_49 = tpu.memref_squeeze %dma_start3A_48 : memref<1x32x64x256xf32, #tpu.memory_space<vmem>> -> memref<32x64x256xf32, #tpu.memory_space<vmem>>
    %dma_start3A_50 = arith.constant 96 : i32
    %dma_start3A_51 = arith.constant 0 : i32
    %dma_start3A_52 = arith.constant 0 : i32
    %dma_start3A_53 = tpu.memref_slice %arg3[%dma_start3A_50, %dma_start3A_51, %dma_start3A_52] : memref<2048x64x256xf32, #tpu.memory_space<any>> -> memref<32x64x256xf32, #tpu.memory_space<any>>
    tpu.enqueue_dma source(%dma_start3A_53 : memref<32x64x256xf32, #tpu.memory_space<any>>) target(%dma_start3A_49 : memref<32x64x256xf32, #tpu.memory_space<vmem>>) target_semaphore(%dma_start3A_44 : memref<!tpu.dma_semaphore, #tpu.memory_space<semaphore_mem>>)
    %rem3A_54 = arith.constant 4 : i32
    %rem3A_55 = arith.constant 16 : i32
    %rem3A_56 = arith.remsi %rem3A_54, %rem3A_55 : i32
    %dma_start3A_57 = tpu.memref_slice %arg7[%rem3A_56] : memref<16x!tpu.dma_semaphore, #tpu.memory_space<semaphore_mem>> -> memref<1x!tpu.dma_semaphore, #tpu.memory_space<semaphore_mem>>
    %dma_start3A_58 = tpu.memref_squeeze %dma_start3A_57 : memref<1x!tpu.dma_semaphore, #tpu.memory_space<semaphore_mem>> -> memref<!tpu.dma_semaphore, #tpu.memory_space<semaphore_mem>>
    %dma_start3A_59 = arith.constant 0 : i32
    %dma_start3A_60 = arith.constant 0 : i32
    %dma_start3A_61 = arith.constant 0 : i32
    %dma_start3A_62 = tpu.memref_slice %arg5[%rem3A_56, %dma_start3A_59, %dma_start3A_60, %dma_start3A_61] : memref<16x32x64x256xf32, #tpu.memory_space<vmem>> -> memref<1x32x64x256xf32, #tpu.memory_space<vmem>>
    %dma_start3A_63 = tpu.memref_squeeze %dma_start3A_62 : memref<1x32x64x256xf32, #tpu.memory_space<vmem>> -> memref<32x64x256xf32, #tpu.memory_space<vmem>>
    %dma_start3A_64 = arith.constant 128 : i32
    %dma_start3A_65 = arith.constant 0 : i32
    %dma_start3A_66 = arith.constant 0 : i32
    %dma_start3A_67 = tpu.memref_slice %arg3[%dma_start3A_64, %dma_start3A_65, %dma_start3A_66] : memref<2048x64x256xf32, #tpu.memory_space<any>> -> memref<32x64x256xf32, #tpu.memory_space<any>>
    tpu.enqueue_dma source(%dma_start3A_67 : memref<32x64x256xf32, #tpu.memory_space<any>>) target(%dma_start3A_63 : memref<32x64x256xf32, #tpu.memory_space<vmem>>) target_semaphore(%dma_start3A_58 : memref<!tpu.dma_semaphore, #tpu.memory_space<semaphore_mem>>)
    %rem3A_68 = arith.constant 5 : i32
    %rem3A_69 = arith.constant 16 : i32
    %rem3A_70 = arith.remsi %rem3A_68, %rem3A_69 : i32
    %dma_start3A_71 = tpu.memref_slice %arg7[%rem3A_70] : memref<16x!tpu.dma_semaphore, #tpu.memory_space<semaphore_mem>> -> memref<1x!tpu.dma_semaphore, #tpu.memory_space<semaphore_mem>>
    %dma_start3A_72 = tpu.memref_squeeze %dma_start3A_71 : memref<1x!tpu.dma_semaphore, #tpu.memory_space<semaphore_mem>> -> memref<!tpu.dma_semaphore, #tpu.memory_space<semaphore_mem>>
    %dma_start3A_73 = arith.constant 0 : i32
    %dma_start3A_74 = arith.constant 0 : i32
    %dma_start3A_75 = arith.constant 0 : i32
    %dma_start3A_76 = tpu.memref_slice %arg5[%rem3A_70, %dma_start3A_73, %dma_start3A_74, %dma_start3A_75] : memref<16x32x64x256xf32, #tpu.memory_space<vmem>> -> memref<1x32x64x256xf32, #tpu.memory_space<vmem>>
    %dma_start3A_77 = tpu.memref_squeeze %dma_start3A_76 : memref<1x32x64x256xf32, #tpu.memory_space<vmem>> -> memref<32x64x256xf32, #tpu.memory_space<vmem>>
    %dma_start3A_78 = arith.constant 160 : i32
    %dma_start3A_79 = arith.constant 0 : i32
    %dma_start3A_80 = arith.constant 0 : i32
    %dma_start3A_81 = tpu.memref_slice %arg3[%dma_start3A_78, %dma_start3A_79, %dma_start3A_80] : memref<2048x64x256xf32, #tpu.memory_space<any>> -> memref<32x64x256xf32, #tpu.memory_space<any>>
    tpu.enqueue_dma source(%dma_start3A_81 : memref<32x64x256xf32, #tpu.memory_space<any>>) target(%dma_start3A_77 : memref<32x64x256xf32, #tpu.memory_space<vmem>>) target_semaphore(%dma_start3A_72 : memref<!tpu.dma_semaphore, #tpu.memory_space<semaphore_mem>>)
    %rem3A_82 = arith.constant 6 : i32
    %rem3A_83 = arith.constant 16 : i32
    %rem3A_84 = arith.remsi %rem3A_82, %rem3A_83 : i32
    %dma_start3A_85 = tpu.memref_slice %arg7[%rem3A_84] : memref<16x!tpu.dma_semaphore, #tpu.memory_space<semaphore_mem>> -> memref<1x!tpu.dma_semaphore, #tpu.memory_space<semaphore_mem>>
    %dma_start3A_86 = tpu.memref_squeeze %dma_start3A_85 : memref<1x!tpu.dma_semaphore, #tpu.memory_space<semaphore_mem>> -> memref<!tpu.dma_semaphore, #tpu.memory_space<semaphore_mem>>
    %dma_start3A_87 = arith.constant 0 : i32
    %dma_start3A_88 = arith.constant 0 : i32
    %dma_start3A_89 = arith.constant 0 : i32
    %dma_start3A_90 = tpu.memref_slice %arg5[%rem3A_84, %dma_start3A_87, %dma_start3A_88, %dma_start3A_89] : memref<16x32x64x256xf32, #tpu.memory_space<vmem>> -> memref<1x32x64x256xf32, #tpu.memory_space<vmem>>
    %dma_start3A_91 = tpu.memref_squeeze %dma_start3A_90 : memref<1x32x64x256xf32, #tpu.memory_space<vmem>> -> memref<32x64x256xf32, #tpu.memory_space<vmem>>
    %dma_start3A_92 = arith.constant 192 : i32
    %dma_start3A_93 = arith.constant 0 : i32
    %dma_start3A_94 = arith.constant 0 : i32
    %dma_start3A_95 = tpu.memref_slice %arg3[%dma_start3A_92, %dma_start3A_93, %dma_start3A_94] : memref<2048x64x256xf32, #tpu.memory_space<any>> -> memref<32x64x256xf32, #tpu.memory_space<any>>
    tpu.enqueue_dma source(%dma_start3A_95 : memref<32x64x256xf32, #tpu.memory_space<any>>) target(%dma_start3A_91 : memref<32x64x256xf32, #tpu.memory_space<vmem>>) target_semaphore(%dma_start3A_86 : memref<!tpu.dma_semaphore, #tpu.memory_space<semaphore_mem>>)
    %rem3A_96 = arith.constant 7 : i32
    %rem3A_97 = arith.constant 16 : i32
    %rem3A_98 = arith.remsi %rem3A_96, %rem3A_97 : i32
    %dma_start3A_99 = tpu.memref_slice %arg7[%rem3A_98] : memref<16x!tpu.dma_semaphore, #tpu.memory_space<semaphore_mem>> -> memref<1x!tpu.dma_semaphore, #tpu.memory_space<semaphore_mem>>
    %dma_start3A_100 = tpu.memref_squeeze %dma_start3A_99 : memref<1x!tpu.dma_semaphore, #tpu.memory_space<semaphore_mem>> -> memref<!tpu.dma_semaphore, #tpu.memory_space<semaphore_mem>>
    %dma_start3A_101 = arith.constant 0 : i32
    %dma_start3A_102 = arith.constant 0 : i32
    %dma_start3A_103 = arith.constant 0 : i32
    %dma_start3A_104 = tpu.memref_slice %arg5[%rem3A_98, %dma_start3A_101, %dma_start3A_102, %dma_start3A_103] : memref<16x32x64x256xf32, #tpu.memory_space<vmem>> -> memref<1x32x64x256xf32, #tpu.memory_space<vmem>>
    %dma_start3A_105 = tpu.memref_squeeze %dma_start3A_104 : memref<1x32x64x256xf32, #tpu.memory_space<vmem>> -> memref<32x64x256xf32, #tpu.memory_space<vmem>>
    %dma_start3A_106 = arith.constant 224 : i32
    %dma_start3A_107 = arith.constant 0 : i32
    %dma_start3A_108 = arith.constant 0 : i32
    %dma_start3A_109 = tpu.memref_slice %arg3[%dma_start3A_106, %dma_start3A_107, %dma_start3A_108] : memref<2048x64x256xf32, #tpu.memory_space<any>> -> memref<32x64x256xf32, #tpu.memory_space<any>>
    tpu.enqueue_dma source(%dma_start3A_109 : memref<32x64x256xf32, #tpu.memory_space<any>>) target(%dma_start3A_105 : memref<32x64x256xf32, #tpu.memory_space<vmem>>) target_semaphore(%dma_start3A_100 : memref<!tpu.dma_semaphore, #tpu.memory_space<semaphore_mem>>)
    %scan3A = arith.constant 0 : i32
    %scan3A_110 = arith.constant 64 : i32
    %scan3A_111 = arith.addi %scan3A, %scan3A_110 : i32
    %scan3A_112 = arith.constant 1 : i32
    scf.for %scan3A_180 = %scan3A to %scan3A_111 step %scan3A_112  : i32 {
      %ge3A = arith.constant 8 : i32
      %ge3A_181 = arith.cmpi sge, %scan3A_180, %ge3A : i32
      %convert_element_type3A = arith.extui %ge3A_181 : i1 to i32
      %cond3A = arith.constant 0 : i32
      %cond3A_182 = arith.cmpi ne, %convert_element_type3A, %cond3A : i32
      scf.if %cond3A_182 {
        %sub3A_217 = arith.constant 8 : i32
        %sub3A_218 = arith.subi %scan3A_180, %sub3A_217 : i32
        %rem3A_219 = arith.constant 16 : i32
        %rem3A_220 = arith.remsi %sub3A_218, %rem3A_219 : i32
        %mul3A_221 = arith.constant 32 : i32
        %mul3A_222 = arith.muli %sub3A_218, %mul3A_221 : i32
        %dma_wait3A_223 = tpu.memref_slice %arg8[%rem3A_220] : memref<16x!tpu.dma_semaphore, #tpu.memory_space<semaphore_mem>> -> memref<1x!tpu.dma_semaphore, #tpu.memory_space<semaphore_mem>>
        %dma_wait3A_224 = tpu.memref_squeeze %dma_wait3A_223 : memref<1x!tpu.dma_semaphore, #tpu.memory_space<semaphore_mem>> -> memref<!tpu.dma_semaphore, #tpu.memory_space<semaphore_mem>>
        %dma_wait3A_225 = arith.constant 0 : i32
        %dma_wait3A_226 = arith.constant 0 : i32
        %dma_wait3A_227 = tpu.memref_slice %arg4[%mul3A_222, %dma_wait3A_225, %dma_wait3A_226] : memref<2048x64x256xf32, #tpu.memory_space<any>> -> memref<32x64x256xf32, #tpu.memory_space<any>>
        %dma_wait3A_228 = arith.constant 0 : i32
        %dma_wait3A_229 = arith.constant 0 : i32
        %dma_wait3A_230 = arith.constant 0 : i32
        %dma_wait3A_231 = tpu.memref_slice %arg5[%rem3A_220, %dma_wait3A_228, %dma_wait3A_229, %dma_wait3A_230] : memref<16x32x64x256xf32, #tpu.memory_space<vmem>> -> memref<1x32x64x256xf32, #tpu.memory_space<vmem>>
        %dma_wait3A_232 = tpu.memref_squeeze %dma_wait3A_231 : memref<1x32x64x256xf32, #tpu.memory_space<vmem>> -> memref<32x64x256xf32, #tpu.memory_space<vmem>>
        tpu.wait_dma2 semaphore(%dma_wait3A_224 : memref<!tpu.dma_semaphore, #tpu.memory_space<semaphore_mem>>) src(%dma_wait3A_232 : memref<32x64x256xf32, #tpu.memory_space<vmem>>) dst(%dma_wait3A_227 : memref<32x64x256xf32, #tpu.memory_space<any>>)
      } else {
      }
      %add3A_183 = arith.constant 8 : i32
      %add3A_184 = arith.addi %scan3A_180, %add3A_183 : i32
      %lt3A_185 = arith.constant 64 : i32
      %lt3A_186 = arith.cmpi slt, %add3A_184, %lt3A_185 : i32
      %convert_element_type3A_187 = arith.extui %lt3A_186 : i1 to i32
      %cond3A_188 = arith.constant 0 : i32
      %cond3A_189 = arith.cmpi ne, %convert_element_type3A_187, %cond3A_188 : i32
      scf.if %cond3A_189 {
        %add3A_217 = arith.constant 8 : i32
        %add3A_218 = arith.addi %scan3A_180, %add3A_217 : i32
        %rem3A_219 = arith.constant 16 : i32
        %rem3A_220 = arith.remsi %add3A_218, %rem3A_219 : i32
        %mul3A_221 = arith.constant 32 : i32
        %mul3A_222 = arith.muli %add3A_218, %mul3A_221 : i32
        %dma_start3A_223 = tpu.memref_slice %arg7[%rem3A_220] : memref<16x!tpu.dma_semaphore, #tpu.memory_space<semaphore_mem>> -> memref<1x!tpu.dma_semaphore, #tpu.memory_space<semaphore_mem>>
        %dma_start3A_224 = tpu.memref_squeeze %dma_start3A_223 : memref<1x!tpu.dma_semaphore, #tpu.memory_space<semaphore_mem>> -> memref<!tpu.dma_semaphore, #tpu.memory_space<semaphore_mem>>
        %dma_start3A_225 = arith.constant 0 : i32
        %dma_start3A_226 = arith.constant 0 : i32
        %dma_start3A_227 = arith.constant 0 : i32
        %dma_start3A_228 = tpu.memref_slice %arg5[%rem3A_220, %dma_start3A_225, %dma_start3A_226, %dma_start3A_227] : memref<16x32x64x256xf32, #tpu.memory_space<vmem>> -> memref<1x32x64x256xf32, #tpu.memory_space<vmem>>
        %dma_start3A_229 = tpu.memref_squeeze %dma_start3A_228 : memref<1x32x64x256xf32, #tpu.memory_space<vmem>> -> memref<32x64x256xf32, #tpu.memory_space<vmem>>
        %dma_start3A_230 = arith.constant 0 : i32
        %dma_start3A_231 = arith.constant 0 : i32
        %dma_start3A_232 = tpu.memref_slice %arg3[%mul3A_222, %dma_start3A_230, %dma_start3A_231] : memref<2048x64x256xf32, #tpu.memory_space<any>> -> memref<32x64x256xf32, #tpu.memory_space<any>>
        tpu.enqueue_dma source(%dma_start3A_232 : memref<32x64x256xf32, #tpu.memory_space<any>>) target(%dma_start3A_229 : memref<32x64x256xf32, #tpu.memory_space<vmem>>) target_semaphore(%dma_start3A_224 : memref<!tpu.dma_semaphore, #tpu.memory_space<semaphore_mem>>)
      } else {
      }
      %rem3A_190 = arith.constant 16 : i32
      %rem3A_191 = arith.remsi %scan3A_180, %rem3A_190 : i32
      %mul3A = arith.constant 32 : i32
      %mul3A_192 = arith.muli %scan3A_180, %mul3A : i32
      %dma_wait3A_193 = tpu.memref_slice %arg7[%rem3A_191] : memref<16x!tpu.dma_semaphore, #tpu.memory_space<semaphore_mem>> -> memref<1x!tpu.dma_semaphore, #tpu.memory_space<semaphore_mem>>
      %dma_wait3A_194 = tpu.memref_squeeze %dma_wait3A_193 : memref<1x!tpu.dma_semaphore, #tpu.memory_space<semaphore_mem>> -> memref<!tpu.dma_semaphore, #tpu.memory_space<semaphore_mem>>
      %dma_wait3A_195 = arith.constant 0 : i32
      %dma_wait3A_196 = arith.constant 0 : i32
      %dma_wait3A_197 = arith.constant 0 : i32
      %dma_wait3A_198 = tpu.memref_slice %arg5[%rem3A_191, %dma_wait3A_195, %dma_wait3A_196, %dma_wait3A_197] : memref<16x32x64x256xf32, #tpu.memory_space<vmem>> -> memref<1x32x64x256xf32, #tpu.memory_space<vmem>>
      %dma_wait3A_199 = tpu.memref_squeeze %dma_wait3A_198 : memref<1x32x64x256xf32, #tpu.memory_space<vmem>> -> memref<32x64x256xf32, #tpu.memory_space<vmem>>
      %dma_wait3A_200 = arith.constant 0 : i32
      %dma_wait3A_201 = arith.constant 0 : i32
      %dma_wait3A_202 = tpu.memref_slice %arg3[%mul3A_192, %dma_wait3A_200, %dma_wait3A_201] : memref<2048x64x256xf32, #tpu.memory_space<any>> -> memref<32x64x256xf32, #tpu.memory_space<any>>
      tpu.wait_dma2 semaphore(%dma_wait3A_194 : memref<!tpu.dma_semaphore, #tpu.memory_space<semaphore_mem>>) src(%dma_wait3A_202 : memref<32x64x256xf32, #tpu.memory_space<any>>) dst(%dma_wait3A_199 : memref<32x64x256xf32, #tpu.memory_space<vmem>>)
      %rem3A_203 = arith.constant 16 : i32
      %rem3A_204 = arith.remsi %scan3A_180, %rem3A_203 : i32
      %mul3A_205 = arith.constant 32 : i32
      %mul3A_206 = arith.muli %scan3A_180, %mul3A_205 : i32
      %dma_start3A_207 = tpu.memref_slice %arg8[%rem3A_204] : memref<16x!tpu.dma_semaphore, #tpu.memory_space<semaphore_mem>> -> memref<1x!tpu.dma_semaphore, #tpu.memory_space<semaphore_mem>>
      %dma_start3A_208 = tpu.memref_squeeze %dma_start3A_207 : memref<1x!tpu.dma_semaphore, #tpu.memory_space<semaphore_mem>> -> memref<!tpu.dma_semaphore, #tpu.memory_space<semaphore_mem>>
      %dma_start3A_209 = arith.constant 0 : i32
      %dma_start3A_210 = arith.constant 0 : i32
      %dma_start3A_211 = tpu.memref_slice %arg4[%mul3A_206, %dma_start3A_209, %dma_start3A_210] : memref<2048x64x256xf32, #tpu.memory_space<any>> -> memref<32x64x256xf32, #tpu.memory_space<any>>
      %dma_start3A_212 = arith.constant 0 : i32
      %dma_start3A_213 = arith.constant 0 : i32
      %dma_start3A_214 = arith.constant 0 : i32
      %dma_start3A_215 = tpu.memref_slice %arg5[%rem3A_204, %dma_start3A_212, %dma_start3A_213, %dma_start3A_214] : memref<16x32x64x256xf32, #tpu.memory_space<vmem>> -> memref<1x32x64x256xf32, #tpu.memory_space<vmem>>
      %dma_start3A_216 = tpu.memref_squeeze %dma_start3A_215 : memref<1x32x64x256xf32, #tpu.memory_space<vmem>> -> memref<32x64x256xf32, #tpu.memory_space<vmem>>
      tpu.enqueue_dma source(%dma_start3A_216 : memref<32x64x256xf32, #tpu.memory_space<vmem>>) target(%dma_start3A_211 : memref<32x64x256xf32, #tpu.memory_space<any>>) target_semaphore(%dma_start3A_208 : memref<!tpu.dma_semaphore, #tpu.memory_space<semaphore_mem>>)
    }
    %scan3A_113 = arith.constant 64 : i32
    %get3A = arith.constant 0 : index
    %get3A_114 = memref.load %arg0[%get3A] : memref<2xi32, #tpu.memory_space<smem>>
    %get3A_115 = arith.constant 1 : index
    %get3A_116 = memref.load %arg0[%get3A_115] : memref<2xi32, #tpu.memory_space<smem>>
    %get3A_117 = arith.index_cast %get3A_114 : i32 to index
    %get3A_118 = memref.load %arg1[%get3A_117] : memref<64xi32, #tpu.memory_space<smem>>
    %add3A = arith.constant 64 : i32
    %add3A_119 = arith.addi %get3A_118, %add3A : i32
    %sub3A = arith.constant 1 : i32
    %sub3A_120 = arith.subi %add3A_119, %sub3A : i32
    %jit3A = arith.constant 64 : i32
    %div3A = arith.divsi %sub3A_120, %jit3A : i32
    %sign3A = arith.constant 0 : i32
    %sign3A_121 = arith.cmpi sgt, %sub3A_120, %sign3A : i32
    %sign3A_122 = arith.extui %sign3A_121 : i1 to i32
    %sign3A_123 = arith.constant 0 : i32
    %sign3A_124 = arith.cmpi slt, %sub3A_120, %sign3A_123 : i32
    %sign3A_125 = arith.extui %sign3A_124 : i1 to i32
    %sign3A_126 = arith.subi %sign3A_122, %sign3A_125 : i32
    %sign3A_127 = arith.constant 0 : i32
    %sign3A_128 = arith.cmpi sgt, %jit3A, %sign3A_127 : i32
    %sign3A_129 = arith.extui %sign3A_128 : i1 to i32
    %sign3A_130 = arith.constant 0 : i32
    %sign3A_131 = arith.cmpi slt, %jit3A, %sign3A_130 : i32
    %sign3A_132 = arith.extui %sign3A_131 : i1 to i32
    %sign3A_133 = arith.subi %sign3A_129, %sign3A_132 : i32
    %ne3A = arith.cmpi ne, %sign3A_126, %sign3A_133 : i32
    %rem3A_134 = arith.remsi %sub3A_120, %jit3A : i32
    %ne3A_135 = arith.constant 0 : i32
    %ne3A_136 = arith.cmpi ne, %rem3A_134, %ne3A_135 : i32
    %and3A = arith.andi %ne3A, %ne3A_136 : i1
    %sub3A_137 = arith.constant 1 : i32
    %sub3A_138 = arith.subi %div3A, %sub3A_137 : i32
    %select_n3A = arith.select %and3A, %sub3A_138, %div3A : i32
    %sub3A_139 = arith.constant 1 : i32
    %sub3A_140 = arith.subi %select_n3A, %sub3A_139 : i32
    %max3A = arith.constant 0 : i32
    %max3A_141 = arith.maxsi %sub3A_140, %max3A : i32
    %jit3A_142 = arith.constant 64 : i32
    %eq3A = arith.constant 0 : i32
    %eq3A_143 = arith.cmpi eq, %jit3A_142, %eq3A : i32
    %jit3A_144 = arith.constant 1 : i32
    %select_n3A_145 = arith.select %eq3A_143, %jit3A_144, %jit3A_142 : i32
    %rem3A_146 = arith.remsi %get3A_118, %select_n3A_145 : i32
    %ne3A_147 = arith.constant 0 : i32
    %ne3A_148 = arith.cmpi ne, %rem3A_146, %ne3A_147 : i32
    %lt3A = arith.constant 0 : i32
    %lt3A_149 = arith.cmpi slt, %rem3A_146, %lt3A : i32
    %lt3A_150 = arith.constant 0 : i32
    %lt3A_151 = arith.cmpi slt, %select_n3A_145, %lt3A_150 : i32
    %ne3A_152 = arith.xori %lt3A_149, %lt3A_151 : i1
    %and3A_153 = arith.andi %ne3A_152, %ne3A_148 : i1
    %add3A_154 = arith.addi %rem3A_146, %select_n3A_145 : i32
    %select_n3A_155 = arith.select %and3A_153, %add3A_154, %rem3A_146 : i32
    %ne3A_156 = arith.constant 0 : i32
    %ne3A_157 = arith.cmpi ne, %select_n3A_155, %ne3A_156 : i32
    %gt3A = arith.constant 0 : i32
    %gt3A_158 = arith.cmpi sgt, %get3A_118, %gt3A : i32
    %and3A_159 = arith.andi %ne3A_157, %gt3A_158 : i1
    %get3A_160 = arith.index_cast %get3A_114 : i32 to index
    %get3A_161 = arith.index_cast %max3A_141 : i32 to index
    %get3A_162 = memref.load %arg2[%get3A_160, %get3A_161] : memref<64x64xi32, #tpu.memory_space<smem>>
    %select_n3A_163 = arith.select %and3A_159, %get3A_116, %get3A_162 : i32
    %scan3A_164 = arith.constant 56 : i32
    %scan3A_165 = arith.constant 8 : i32
    %scan3A_166 = arith.addi %scan3A_164, %scan3A_165 : i32
    %scan3A_167 = arith.constant 1 : i32
    scf.for %scan3A_180 = %scan3A_164 to %scan3A_166 step %scan3A_167  : i32 {
      %rem3A_181 = arith.constant 16 : i32
      %rem3A_182 = arith.remsi %scan3A_180, %rem3A_181 : i32
      %mul3A = arith.constant 32 : i32
      %mul3A_183 = arith.muli %scan3A_180, %mul3A : i32
      %dma_wait3A_184 = tpu.memref_slice %arg8[%rem3A_182] : memref<16x!tpu.dma_semaphore, #tpu.memory_space<semaphore_mem>> -> memref<1x!tpu.dma_semaphore, #tpu.memory_space<semaphore_mem>>
      %dma_wait3A_185 = tpu.memref_squeeze %dma_wait3A_184 : memref<1x!tpu.dma_semaphore, #tpu.memory_space<semaphore_mem>> -> memref<!tpu.dma_semaphore, #tpu.memory_space<semaphore_mem>>
      %dma_wait3A_186 = arith.constant 0 : i32
      %dma_wait3A_187 = arith.constant 0 : i32
      %dma_wait3A_188 = tpu.memref_slice %arg4[%mul3A_183, %dma_wait3A_186, %dma_wait3A_187] : memref<2048x64x256xf32, #tpu.memory_space<any>> -> memref<32x64x256xf32, #tpu.memory_space<any>>
      %dma_wait3A_189 = arith.constant 0 : i32
      %dma_wait3A_190 = arith.constant 0 : i32
      %dma_wait3A_191 = arith.constant 0 : i32
      %dma_wait3A_192 = tpu.memref_slice %arg5[%rem3A_182, %dma_wait3A_189, %dma_wait3A_190, %dma_wait3A_191] : memref<16x32x64x256xf32, #tpu.memory_space<vmem>> -> memref<1x32x64x256xf32, #tpu.memory_space<vmem>>
      %dma_wait3A_193 = tpu.memref_squeeze %dma_wait3A_192 : memref<1x32x64x256xf32, #tpu.memory_space<vmem>> -> memref<32x64x256xf32, #tpu.memory_space<vmem>>
      tpu.wait_dma2 semaphore(%dma_wait3A_185 : memref<!tpu.dma_semaphore, #tpu.memory_space<semaphore_mem>>) src(%dma_wait3A_193 : memref<32x64x256xf32, #tpu.memory_space<vmem>>) dst(%dma_wait3A_188 : memref<32x64x256xf32, #tpu.memory_space<any>>)
    }
    %scan3A_168 = arith.constant 8 : i32
    %dma_start3A_169 = arith.constant 0 : i32
    %dma_start3A_170 = arith.constant 0 : i32
    %dma_start3A_171 = tpu.memref_slice %arg3[%get3A_162, %dma_start3A_169, %dma_start3A_170] : memref<2048x64x256xf32, #tpu.memory_space<any>> -> memref<1x64x256xf32, #tpu.memory_space<any>>
    tpu.enqueue_dma source(%dma_start3A_171 : memref<1x64x256xf32, #tpu.memory_space<any>>) target(%arg6 : memref<1x64x256xf32, #tpu.memory_space<vmem>>) target_semaphore(%arg9 : memref<!tpu.dma_semaphore, #tpu.memory_space<semaphore_mem>>)
    %dma_wait3A = arith.constant 0 : i32
    %dma_wait3A_172 = arith.constant 0 : i32
    %dma_wait3A_173 = tpu.memref_slice %arg3[%get3A_162, %dma_wait3A, %dma_wait3A_172] : memref<2048x64x256xf32, #tpu.memory_space<any>> -> memref<1x64x256xf32, #tpu.memory_space<any>>
    tpu.wait_dma2 semaphore(%arg9 : memref<!tpu.dma_semaphore, #tpu.memory_space<semaphore_mem>>) src(%dma_wait3A_173 : memref<1x64x256xf32, #tpu.memory_space<any>>) dst(%arg6 : memref<1x64x256xf32, #tpu.memory_space<vmem>>)
    %dma_start3A_174 = arith.constant 0 : i32
    %dma_start3A_175 = arith.constant 0 : i32
    %dma_start3A_176 = tpu.memref_slice %arg4[%select_n3A_163, %dma_start3A_174, %dma_start3A_175] : memref<2048x64x256xf32, #tpu.memory_space<any>> -> memref<1x64x256xf32, #tpu.memory_space<any>>
    tpu.enqueue_dma source(%arg6 : memref<1x64x256xf32, #tpu.memory_space<vmem>>) target(%dma_start3A_176 : memref<1x64x256xf32, #tpu.memory_space<any>>) target_semaphore(%arg9 : memref<!tpu.dma_semaphore, #tpu.memory_space<semaphore_mem>>)
    %dma_wait3A_177 = arith.constant 0 : i32
    %dma_wait3A_178 = arith.constant 0 : i32
    %dma_wait3A_179 = tpu.memref_slice %arg4[%select_n3A_163, %dma_wait3A_177, %dma_wait3A_178] : memref<2048x64x256xf32, #tpu.memory_space<any>> -> memref<1x64x256xf32, #tpu.memory_space<any>>
    tpu.wait_dma2 semaphore(%arg9 : memref<!tpu.dma_semaphore, #tpu.memory_space<semaphore_mem>>) src(%arg6 : memref<1x64x256xf32, #tpu.memory_space<vmem>>) dst(%dma_wait3A_179 : memref<1x64x256xf32, #tpu.memory_space<any>>)
    return
  }
}

</mosaic_0001>

<sc_bundles>
// kernel: kernel.4.cloned.1.call-start
scs
__scs_entry_jumppad:
0x0: {  	(pc) =	sbr.rel $0x88, $3  }
0x1: {  	(tag) =	ssettag $0x0;
	lr =	simm.s32 $0x1  }
0x2: {  	[smem:$0x3F9A] =	sst lr;
	_ =	strace $0xD0000000  }
0x3: {  	_ = 	snop  }
0x4: {  	_ = 	snop  }
0x5: {  	_ = 	snop  }
0x6: {  	_ = 	snop  }
0x7: {  	_ = 	snop  }
__scs_overlays_trampoline_lowered:
0x8: {  	[smem:$0x3FA9] =	sst s0  }
0x9: {  	[smem:$0x3FAA] =	sst s1  }
0xa: {  	[smem:$0x3FAB] =	sst s2  }
0xb: {  	[smem:$0x3FAC] =	sst s3  }
0xc: {  	[smem:$0x3FAD] =	sst s4  }
0xd: {  	[smem:$0x3FAE] =	sst s5  }
0xe: {  	[smem:$0x3FAF] =	sst s6  }
0xf: {  	[smem:$0x3FB0] =	sst s7  }
0x10: {  	[smem:$0x3FB1] =	sst s8  }
0x11: {  	[smem:$0x3FB2] =	sst s9;
	s0 =	simm.s32 @!p0 $0x0  }
0x12: {  	s1 =	sld [smem:$0x3F98];
	s0 =	simm.s32 @p0 $0x1  }
0x13: {  	[smem:$0x3FB3] =	sst s0;
	s0 =	simm.s32 @!p1 $0x0  }
0x14: {  	s2 =	sld [smem:$0x3F97];
	s0 =	simm.s32 @p1 $0x1  }
0x15: {  	[smem:$0x3FB4] =	sst s0;
	s0 =	simm.s32 @!p2 $0x0  }
0x16: {  	s3 =	sld [smem:$0x3FDB];
	s0 =	simm.s32 @p2 $0x1  }
0x17: {  	s4 =	simm.s32 $0x1BF5;
	[smem:$0x3FB6] =	sst s0  }
0x18: {  	s0 =	sld [smem:$0x3F99];
	_ =	swait.ge [sflag:s4], $0x0  }
0x19: {  	s7 =	sld [smem:$0x3F9A]  }
0x1a: {  	s8 =	sadd.s32 $0xFFFFE003, lr  }
0x1b: {  	s9 =	sadd.s32 $0xFFFFFEF7, lr;
	s5 =	simm.s32 $0xFFFFFFFF;
	p2 =	slt.u32 s8, $0xFFFFF086  }
0x1c: {  	p1 =	slt.u32 s9, $0xF7A;
	s5 =	simm.s32 @!p2 $0x0  }
0x1d: {  	s5 =	simm.s32 @p1 $0x1;
	p0 =	seq.s32 s7, s2  }
0x1e: {  	s7 =	smul.u32 @!p0 $0xF7A, s2;
	p2 =	seq.s32 @!p0 s5, $0x0  }
0x1f: {  	s9 =	smul.u32 $0xF7A, s1;
	s8 =	simm.s32 @!p0 $0x1BF5;
	p2 =	por !p2, p0  }
0x20: {  	[sflag:s8] =	ssyncset.s32 @!p0 $0xFFFFF086;
	s6 =	sadd.s32 @!p0 s3, s7;
	s7 =	simm.s32 @!p0 $0x108  }
0x21: {  	s3 =	sadd.s32 s3, s9;
	s6 =	sadd.s32 @!p0 $0x88, s6;
	s7 =	simm.s32 @p2 $0x1082  }
0x22: {  	[simem:s7], [sflag:s8] =	dma.local @!p0 [hbm:s6], $0xF7A  }
0x23: {  	s9 =	sor.u32 $0xD0000000, s2;
	s6 =	simm.s32 $0x108;
	_ =	swait.ge @!p0 [sflag:s8], $0x0  }
0x24: {  	s3 =	sadd.s32 $0x88, s3;
	s6 =	simm.s32 @!p1 $0x1082;
	[sflag:s4] =	ssyncset.s32 $0xFFFFF086  }
0x25: {  	[simem:s6], [sflag:s4] =	dma.local [hbm:s3], $0xF7A  }
0x26: {  	[smem:$0x3F9A] =	sst s1;
	(tag) =	ssettag s2;
	_ =	strace s9  }
0x27: {  	s1 =	sld [smem:$0x3FAA]  }
0x28: {  	s2 =	sld [smem:$0x3FAB]  }
0x29: {  	s4 =	sld [smem:$0x3FAD]  }
0x2a: {  	p0 =	seq.s32 s5, $0x0;
	s5 =	sld [smem:$0x3FAE]  }
0x2b: {  	s6 =	sld [smem:$0x3FAF]  }
0x2c: {  	s7 =	sld [smem:$0x3FB0]  }
0x2d: {  	s3 =	simm.s32 $0x108;
	s8 =	sld [smem:$0x3FB1]  }
0x2e: {  	s3 =	simm.s32 @!p0 $0x1082;
	s9 =	sld [smem:$0x3FB2]  }
0x2f: {  	lr =	sadd.s32 s0, s3;
	s0 =	sld [smem:$0x3FA9]  }
0x30: {  	s3 =	sld [smem:$0x3FAC]  }
0x31: {  	[smem:$0x3FB5] =	sst s10  }
0x32: {  	s10 =	sld [smem:$0x3FB3];
	_ =	sdelay $0x3  }
0x33: {  	p0 =	seq.s32 s10, $0x1;
	s10 =	sld [smem:$0x3FB5];
	_ =	sdelay $0x3  }
0x34: {  	[smem:$0x3FB5] =	sst s10  }
0x35: {  	s10 =	sld [smem:$0x3FB4];
	_ =	sdelay $0x3  }
0x36: {  	p1 =	seq.s32 s10, $0x1;
	s10 =	sld [smem:$0x3FB5];
	_ =	sdelay $0x3  }
0x37: {  	[smem:$0x3FB5] =	sst s10  }
0x38: {  	s10 =	sld [smem:$0x3FB6]  }
0x39: {  	_ = 	snop;
	(pc) =	sbr.ind lr, $3  }
0x3a: {  	_ = 	snop  }
0x3b: {  	_ = 	snop  }
0x3c: {  	p2 =	seq.s32 s10, $0x1;
	s10 =	sld [smem:$0x3FB5]  }
0x3d: {  	_ =	shalt  }
0x3e: {  	_ =	shalt  }
0x3f: {  	_ =	shalt  }
0x40: {  	_ =	shalt  }
0x41: {  	_ =	shalt  }
0x42: {  	_ =	shalt  }
0x43: {  	_ =	shalt  }
0x44: {  	_ =	shalt  }
0x45: {  	_ =	shalt  }
0x46: {  	_ =	shalt  }
0x47: {  	_ =	shalt  }
0x48: {  	_ =	shalt  }
0x49: {  	_ =	shalt  }
0x4a: {  	_ =	shalt  }
0x4b: {  	_ =	shalt  }
0x4c: {  	_ =	shalt  }
0x4d: {  	_ =	shalt  }
0x4e: {  	_ =	shalt  }
0x4f: {  	_ =	shalt  }
0x50: {  	_ =	shalt  }
0x51: {  	_ =	shalt  }
0x52: {  	_ =	shalt  }
0x53: {  	_ =	shalt  }
0x54: {  	_ =	shalt  }
0x55: {  	_ =	shalt  }
0x56: {  	_ =	shalt  }
0x57: {  	_ =	shalt  }
0x58: {  	_ =	shalt  }
0x59: {  	_ =	shalt  }
0x5a: {  	_ =	shalt  }
0x5b: {  	_ =	shalt  }
0x5c: {  	_ =	shalt  }
0x5d: {  	_ =	shalt  }
0x5e: {  	_ =	shalt  }
0x5f: {  	_ =	shalt  }
0x60: {  	_ =	shalt  }
0x61: {  	_ =	shalt  }
0x62: {  	_ =	shalt  }
0x63: {  	_ =	shalt  }
0x64: {  	_ =	shalt  }
0x65: {  	_ =	shalt  }
0x66: {  	_ =	shalt  }
0x67: {  	_ =	shalt  }
0x68: {  	_ =	shalt  }
0x69: {  	_ =	shalt  }
0x6a: {  	_ =	shalt  }
0x6b: {  	_ =	shalt  }
0x6c: {  	_ =	shalt  }
0x6d: {  	_ =	shalt  }
0x6e: {  	_ =	shalt  }
0x6f: {  	_ =	shalt  }
0x70: {  	_ =	shalt  }
0x71: {  	_ =	shalt  }
0x72: {  	_ =	shalt  }
0x73: {  	_ =	shalt  }
0x74: {  	_ =	shalt  }
0x75: {  	_ =	shalt  }
0x76: {  	_ =	shalt  }
0x77: {  	_ =	shalt  }
0x78: {  	_ =	shalt  }
0x79: {  	_ =	shalt  }
0x7a: {  	_ =	shalt  }
0x7b: {  	_ =	shalt  }
0x7c: {  	_ =	shalt  }
0x7d: {  	_ =	shalt  }
0x7e: {  	_ =	shalt  }
0x7f: {  	_ =	shalt  }
0x80: {  	_ =	shalt  }
0x81: {  	_ =	shalt  }
0x82: {  	_ =	shalt  }
0x83: {  	_ =	shalt  }
0x84: {  	_ =	shalt  }
0x85: {  	_ =	shalt  }
0x86: {  	_ =	shalt  }
0x87: {  	_ =	shalt  }
.Lfunc_end0:
.L_simem_size_0:
called_computation_lowered:
.L_overlay_start_0:
0x88: {  	s2 =	sld [smem:$0x3FD9]  }
0x89: {  	s3 =	sld [smem:$0x3FFE];
	_ =	sdelay $0x1  }
0x8a: {  	s1 =	srdreg.scid  }
0x8b: {  	s0 =	sand.u32 $0x1, s1  }
0x8c: {  	s14 =	sshll.u32 s0, $0xA;
	s2 =	sadd.s32 s3, s2  }
0x8d: {  	s2 =	sadd.s32 s2, s14  }
0x8e: {  	[smem:$0x3FC1] =	sst s2  }
0x8f: {  	_ = 	snop  }
0x90: {  	s2 =	sld [smem:$0x3FD0]  }
0x91: {  	s15 =	sld [smem:$0x3FC8]  }
0x92: {  	s4 =	sld [smem:$0x3FC7]  }
0x93: {  	s6 =	simm.s32 $0xA;
	s7 =	simm.s32 $0x10;
	s5 =	sld [smem:$0x3FC6]  }
0x94: {  	[smem:s7], [sflag:s6] =	dma.local [hbm:s2], $0x1  }
0x95: {  	_ =	swait.eq [sflag:s6], $0x1  }
0x96: {  	s16 =	sld [smem:$0x11];
	[sflag:s6] =	ssyncset.done $0x0  }
0x97: {  	s17 =	sld [smem:$0x12];
	[sflag:s6] =	ssyncadd.s32 $0xFFFFFFFF  }
0x98: {  	s18 =	sld [smem:$0x13];
	(tm) =	ssettm $0x1  }
0x99: {  	s8 =	sld [smem:$0x3FFB];
	_ =	sdelay $0x3  }
0x9a: {  	_ =	strace s8  }
0x9b: {  	s8 =	sld [smem:$0x3FFC];
	_ =	sdelay $0x3  }
0x9c: {  	_ =	strace s8  }
0x9d: {  	s8 =	sld [smem:$0x3FFD];
	_ =	sdelay $0x3  }
0x9e: {  	_ =	strace s8  }
0x9f: {  	_ =	strace $0x8FFFFFFF  }
0xa0: {  	s19 =	sld [smem:$0x3FDB];
	_ =	sdelay $0x1  }
0xa1: {  	s9 =	simm.s32 $_scs_section_size  }
0xa2: {  	s10 =	simm.s32 $_size__tile_overlayer_lowered;
	s11 =	simm.s32 $_tile_overlayer_lowered  }
0xa3: {  	s22 =	simm.s32 $0x1BFF;
	s21 =	sshll.u32 s11, $0x1;
	s8 =	sadd.s32 s9, s19  }
0xa4: {  	s12 =	simm.s32 $0x0;
	s20 =	sshll.u32 s10, $0x1;
	s10 =	sadd.s32 s21, s8  }
0xa5: {  	[timem:s12], [sflag:s22] =	dma.local [hbm:s10], s20  }
0xa6: {  	_ =	swait.ge [sflag:s22], s20  }
0xa7: {  	s9 =	ssub.s32 $0x0, s20;
	[sflag:s22] =	ssyncset.done $0x0  }
0xa8: {  	[sflag:s22] =	ssyncadd.s32 s9;
	_ =	sdelay $0x1  }
0xa9: {  	s23 =	simm.s32 $0x1B8B  }
0xaa: {  	_ =	swait.ge [sflag:s23], $0x1  }
0xab: {  	[sflag:s23] =	ssyncset.done $0x0  }
0xac: {  	s25 =	simm.s32 $0x1B8E;
	s24 =	sld [smem:$0x3FFE];
	[sflag:s23] =	ssyncadd.s32 $0xFFFFFFFF  }
0xad: {  	s26 =	simm.s32 $execute0_lowered;
	[smem:$0x3FD2] =	sst s25  }
0xae: {  	s10 =	sshll.u32 s26, $0x1;
	_ =	strace $0x80000046;
	[dreg:$0x1] =	wrdreg $0xFFFFFFFF  }
0xaf: {  	s28 =	simm.s32 $_size_execute0_lowered;
	s8 =	sadd.s32 s8, s10;
	[dreg:$0x0] =	wrdreg $0x0  }
0xb0: {  	s10 =	sshll.u32 s28, $0x1;
	[dreg:$0x2] =	wrdreg s8  }
0xb1: {  	[dreg:$0x3] =	wrdreg s10  }
0xb2: {  	[dreg:$0x4] =	wrdreg $0xC0  }
0xb3: {  	_ =	task [dreg:s12], $0x5FFFF  }
0xb4: {  	[dreg:$0x1] =	wrdreg $0xFFFFFFFF  }
0xb5: {  	[dreg:$0x0] =	wrdreg $0x60  }
0xb6: {  	[dreg:$0x2] =	wrdreg s15  }
0xb7: {  	[dreg:$0x3] =	wrdreg s4  }
0xb8: {  	[dreg:$0x4] =	wrdreg s5  }
0xb9: {  	[dreg:$0x5] =	wrdreg s24  }
0xba: {  	[dreg:$0x6] =	wrdreg s16  }
0xbb: {  	[dreg:$0x7] =	wrdreg s17  }
0xbc: {  	[dreg:$0x8] =	wrdreg s18  }
0xbd: {  	[dreg:$0x9] =	wrdreg $0x9  }
0xbe: {  	_ =	task.clear_ibuf [dreg:s12], $0xAFFFF;
	_ =	strace $0x90000046  }
0xbf: {  	s29 =	simm.s32 $0x9;
	_ =	strace $0x80000048  }
0xc0: {  	_ =	swait.ge [sflag:s29], $0x1  }
0xc1: {  	[sflag:s29] =	ssyncadd.s32 $0xFFFFFFFF  }
0xc2: {  	_ =	strace $0x90000048  }
0xc3: {  	_ =	sfence  }
0xc4: {  	s30 =	sld [smem:$0x0];
	_ =	sdelay $0x2  }
0xc5: {  	s31 =	sshll.u32 s1, $0xD;
	s1 =	sshrl.u32 s1, $0x2  }
0xc6: {  	s3 =	sand.u32 $0x4000, s31;
	s1 =	sadd.s32 s1, s30  }
0xc7: {  	s0 =	sor.u32 s3, s0;
	s1 =	sshll.u32 s1, $0x11  }
0xc8: {  	s0 =	sor.u32 s1, s0  }
0xc9: {  	s0 =	sadd.s32 $0x8F2B, s0  }
0xca: {  	[sflag:s0] =	ssyncadd.remote.s32 $0x1  }
0xcb: {  	_ =	sfence.sel $0xFFFF  }
0xcc: {  	[dreg:$0x0] =	wrdreg $0xFFFFFFFF;
	(pc) =	sbr.abs _section_cstart, $3  }
0xcd: {  	[dreg:$0x1] =	wrdreg $0xFFFFFFFF  }
0xce: {  	_ =	task.clear_ibuf [dreg:s12], $0x2FFFF;
	_ =	strace $0x9FFFFFFF  }
0xcf: {  	(tm) =	ssettm $0x7FFFFFFF  }
tec
execute0_lowered:
.L_overlay_start_1:
0x0: {  	(tag) =	ssettag $0x1  }
0x1: {  	s1 =	rddreg [dreg:$0x0]  }
0x2: {  	s3 =	rddreg [dreg:$0x1]  }
0x3: {  	s4 =	rddreg [dreg:$0x2]  }
0x4: {  	s6 =	rddreg [dreg:$0x3]  }
0x5: {  	s19 =	rddreg [dreg:$0x4]  }
0x6: {  	s2 =	rddreg [dreg:$0x5]  }
0x7: {  	s22 =	rddreg [dreg:$0x6]  }
0x8: {  	s0 =	rddreg [dreg:$0x7];
	s5 =	simm.s32 $0x0  }
0x9: {  	s7 =	simm.s32 $0x4180;
	[smem:$0x7FF] =	sst s5  }
0xa: {  	s8 =	simm.s32 $0x1;
	s6 =	sadd.s32 $0xA00, s6;
	_ =	strace $0x80000047  }
0xb: {  	[tilespmem:s7], [sflag:$0x1] =	stream.linear.gather [hbm4b:s6+s5], $0x80, $0x38;
	[tilespmem:$0x4300] =	vst v63  }
0xc: {  	_ =	swait.ge [sflag:s8], $0x80  }
0xd: {  	[sflag:s8] =	ssyncset.done $0x0  }
0xe: {  	s9 =	simm.s32 $0x4200;
	[sflag:s8] =	ssyncadd.s32 $0xFFFFFF80  }
0xf: {  	[tilespmem:s9], [sflag:$0x1] =	stream.linear.gather [hbm4b:s3+s5], $0x80, $0x38;
	[tilespmem:$0x4300] =	vst v63  }
0x10: {  	_ =	swait.ge [sflag:s8], $0x80  }
0x11: {  	[sflag:s8] =	ssyncset.done $0x0  }
0x12: {  	s11 =	simm.s32 $0x2180;
	v0 =	vimm.s32 $0x1;
	[sflag:s8] =	ssyncadd.s32 $0xFFFFFF80  }
0x13: {  	v1 =	vimm.s32 $0x2;
	[tilespmem:s11], [sflag:$0x1] =	stream.linear.gather [hbm4b:s4+s5], $0x2000, $0x38;
	[tilespmem:$0x4300] =	vst v63  }
0x14: {  	_ =	swait.ge [sflag:s8], $0x2000  }
0x15: {  	[sflag:s8] =	ssyncset.done $0x0  }
0x16: {  	[sflag:s8] =	ssyncadd.s32 $0xFFFFE000  }
0x17: {  	v13 =	vld.idx.msk [tilespmem:v0+s7+$0x0], $0xffff  }
0x18: {  	s12 =	srdreg.scid;
	s10 =	stileid.u32;
	v17 =	vld.idx.msk [tilespmem:v1+s7+$0x0], $0xffff  }
0x19: {  	v2 =	vimm.s32 $0x3;
	s24 =	sand.u32 $0x1, s12;
	s30 =	sshll.u32 s10, $0x1  }
0x1a: {  	v3 =	vlaneseq.u32;
	s25 =	sor.u32 s24, s30  }
0x1b: {  	s17 =	sshll.u32 s25, $0x1  }
0x1c: {  	v4 =	vadd.s32 s17, v3  }
0x1d: {  	vm0 =	veq.s32 v4, v17  }
0x1e: {  	v14 =	vld.idx.msk [tilespmem:v2+s7+$0x0], $0xffff;
	v5 =	vsel vm0, v13, v4  }
0x1f: {  	v18 =	vld.idx.msk [tilespmem:v13+s9+$0x0], $0xffff;
	[tilespmem:v3+s5+$0x0] =	vst.idx.msk $0x3, v5  }
0x20: {  	v5 =	vld.msk [tilespmem:$0x0], $0x3;
	_ =	sdelay $0x4  }
0x21: {  	v6 =	vshll.u32 v5, $0x5  }
0x22: {  	v7 =	vand.u32 $0x7, v5;
	v6 =	vand.u32 $0xFFFFFF00, v6  }
0x23: {  	v8 =	vshrl.u32 v3, $0x1;
	v5 =	vand.u32 $0x1, v3;
	v7 =	vor.u32 v7, v6  }
0x24: {  	v6 =	vmul.u32 $0x8, v8;
	v7 =	vperm.xlane v7, v5;
	_ =	sdelay $0x1  }
0x25: {  	v8 =	vadd.s32 v6, v7;
	_ =	sdelay $0x3  }
0x26: {  	s14 =	simm.s32 $0x80;
	s15 =	simm.s32 $0x880;
	s12 =	sadd.s32 $0x400, s1;
	vm0 =	vmmov $0xffff  }
0x27: {  	[tilespmem:s14], [sflag:$0x1] =	stream.indirect_vreg.gather [hbm4b:s1+s5], $0x80, v8, vm0, $0xb8;
	[tilespmem:$0x4300] =	vst v63  }
0x28: {  	s13 =	sadd.s32 $0x800, s1;
	s23 =	sshrl.u32 s10, $0x1;
	s16 =	sshll.u32 s25, $0x8  }
0x29: {  	[tilespmem:s15], [sflag:$0x1] =	stream.indirect_vreg.gather [hbm4b:s12+s5], $0x80, v8, vm0, $0xb8;
	[tilespmem:$0x4300] =	vst v63  }
0x2a: {  	s18 =	sshll.u32 s23, $0xF;
	s26 =	sand.u32 $0x300, s16;
	s16 =	simm.s32 $0x1080  }
0x2b: {  	[tilespmem:s16], [sflag:$0x1] =	stream.indirect_vreg.gather [hbm4b:s13+s5], $0x80, v8, vm0, $0xb8;
	[tilespmem:$0x4300] =	vst v63  }
0x2c: {  	s20 =	sor.u32 s18, s26;
	s18 =	simm.s32 $0x1880;
	v7 =	vmov s17;
	s17 =	sadd.s32 $0xC00, s1  }
0x2d: {  	vm1 =	veq.s32 v7, v17;
	[tilespmem:s18], [sflag:$0x1] =	stream.indirect_vreg.gather [hbm4b:s17+s5], $0x80, v8, vm0, $0xb8;
	[tilespmem:$0x4300] =	vst v63  }
0x2e: {  	v8 =	vsel vm1, v13, v7;
	_ =	swait.ge [sflag:s8], $0x2000  }
0x2f: {  	s21 =	simm.s32 $0x400;
	s20 =	sshrl.u32 s20, $0x3;
	v9 =	vadd.s32 $0x3F, v18;
	v12 =	vshll.u32 v8, $0x7;
	[sflag:s8] =	ssyncset.done $0x0  }
0x30: {  	s19 =	sadd.s32 s19, s20;
	s20 =	simm.s32 $0x100;
	v10 =	vand.u32 $0x3F, v9;
	v8 =	vshra.s32 v9, $0x1F;
	v11 =	vor.u32 v3, v12;
	[sflag:s8] =	ssyncadd.s32 $0xFFFFE000  }
0x31: {  	vm2 =	vlt.s32 v9, $0x1;
	vm3 =	vne.s32 v10, $0x0;
	v15 =	vshrl.u32 v8, $0x1A;
	[hbm4b:s19+s20] =	stream.strided.scatter [tilespmem:s14], [sflag:$0x1], $0x2000, s21, s20, $0x38;
	[tilespmem:$0x4300] =	vst v63  }
0x32: {  	vm2 =	vmand vm2, vm3;
	v8 =	vimm.s32 $0x0;
	v9 =	vadd.s32 v15, v9;
	_ =	swait.ge [sflag:s8], $0x2000  }
0x33: {  	v10 =	vsel vm2, $0xFFFFFFFF, v8;
	v9 =	vshra.s32 v9, $0x6;
	[sflag:s8] =	ssyncset.done $0x0  }
0x34: {  	v10 =	vadd.s32 v10, v9;
	[sflag:s8] =	ssyncadd.s32 $0xFFFFE000  }
0x35: {  	vm3 =	vgt.s32 v18, $0x0;
	v15 =	vand.u32 $0x3F, v18;
	vm2 =	vgt.s32 v10, $0x1;
	v11 =	vld.idx.msk [tilespmem:v11+s11+$0x0], $0xffff  }
0x36: {  	vm4 =	vne.s32 v15, $0x0;
	v9 =	vor.u32 $0x10, v3;
	v10 =	vnsel vm2, $0x1, v10  }
0x37: {  	vm2 =	vmand vm3, vm4;
	v15 =	vadd.s32 $0xFFFFFFFF, v10;
	v10 =	vor.u32 v9, v12  }
0x38: {  	vm1 =	vmand vm1, vm2;
	vm3 =	veq.s32 v15, v3  }
0x39: {  	vm12 =	vmand vm1, vm3  }
0x3a: {  	v11 =	vsel vm12, v14, v11  }
0x3b: {  	[tilespmem:$0x2080] =	vst v11  }
0x3c: {  	v11 =	vld.idx.msk [tilespmem:v10+s11+$0x0], $0xffff  }
0x3d: {  	v10 =	vor.u32 $0x20, v3  }
0x3e: {  	v16 =	vor.u32 v10, v12  }
0x3f: {  	vm13 =	veq.s32 v15, v9  }
0x40: {  	vm5 =	vmand vm1, vm13  }
0x41: {  	v11 =	vsel vm5, v14, v11  }
0x42: {  	[tilespmem:$0x2090] =	vst v11  }
0x43: {  	v16 =	vld.idx.msk [tilespmem:v16+s11+$0x0], $0xffff  }
0x44: {  	v11 =	vor.u32 $0x30, v3  }
0x45: {  	v19 =	vor.u32 v11, v12  }
0x46: {  	vm14 =	veq.s32 v15, v10  }
0x47: {  	s28 =	sshllo.u32 s25, $0x1;
	vm6 =	vmand vm1, vm14  }
0x48: {  	v12 =	vmov s28;
	v16 =	vsel vm6, v14, v16  }
0x49: {  	vm15 =	veq.s32 v12, v17;
	[tilespmem:$0x20A0] =	vst v16  }
0x4a: {  	v13 =	vsel vm15, v13, v12;
	v16 =	vld.idx.msk [tilespmem:v19+s11+$0x0], $0xffff  }
0x4b: {  	v13 =	vshll.u32 v13, $0x7  }
0x4c: {  	v19 =	vor.u32 v3, v13  }
0x4d: {  	vm7 =	veq.s32 v15, v11  }
0x4e: {  	vm1 =	vmand vm1, vm7  }
0x4f: {  	v15 =	vsel vm1, v14, v16  }
0x50: {  	[tilespmem:$0x20B0] =	vst v15  }
0x51: {  	v15 =	vld.idx.msk [tilespmem:v19+s11+$0x0], $0xffff;
	_ =	sdelay $0x1  }
0x52: {  	v16 =	vor.u32 v9, v13  }
0x53: {  	vm1 =	vmand vm15, vm2  }
0x54: {  	vm2 =	vmand vm1, vm3  }
0x55: {  	v15 =	vsel vm2, v14, v15  }
0x56: {  	[tilespmem:$0x2100] =	vst v15  }
0x57: {  	v15 =	vld.idx.msk [tilespmem:v16+s11+$0x0], $0xffff;
	_ =	sdelay $0x1  }
0x58: {  	v16 =	vor.u32 v10, v13;
	_ =	sdelay $0x1  }
0x59: {  	vm2 =	vmand vm1, vm13  }
0x5a: {  	v15 =	vsel vm2, v14, v15  }
0x5b: {  	[tilespmem:$0x2110] =	vst v15  }
0x5c: {  	v15 =	vld.idx.msk [tilespmem:v16+s11+$0x0], $0xffff;
	_ =	sdelay $0x1  }
0x5d: {  	v13 =	vor.u32 v11, v13;
	_ =	sdelay $0x1  }
0x5e: {  	vm2 =	vmand vm1, vm14  }
0x5f: {  	v15 =	vsel vm2, v14, v15  }
0x60: {  	[tilespmem:$0x2120] =	vst v15  }
0x61: {  	v13 =	vld.idx.msk [tilespmem:v13+s11+$0x0], $0xffff;
	_ =	sdelay $0x2  }
0x62: {  	s23 =	sshll.u32 s23, $0xA  }
0x63: {  	s23 =	sor.u32 s23, s26;
	vm1 =	vmand vm1, vm7  }
0x64: {  	s23 =	sshrl.u32 s23, $0x3;
	v13 =	vsel vm1, v14, v13  }
0x65: {  	s22 =	sadd.s32 s22, s23;
	s23 =	simm.s32 $0x2080;
	[tilespmem:$0x2130] =	vst v13  }
0x66: {  	[hbm4b:s22+s5] =	stream.linear.scatter [tilespmem:s23], [sflag:$0x1], $0x100, $0x38;
	[tilespmem:$0x4300] =	vst v63  }
0x67: {  	_ =	swait.ge [sflag:s8], $0x100  }
0x68: {  	[sflag:s8] =	ssyncset.done $0x0  }
0x69: {  	s24 =	ssub.s32 $0x2, s24;
	p0 =	sne.s32 s25, $0x0;
	[sflag:s8] =	ssyncadd.s32 $0xFFFFFF00  }
0x6a: {  	s31 =	sshrl.u32 s24, $0x1;
	v16 =	vld @!p0 [tilespmem:$0x4230]  }
0x6b: {  	s24 =	ssub.s32 s24, s31;
	v19 =	vld @!p0 [tilespmem:$0x4220]  }
0x6c: {  	s24 =	smax.u32 s24, $0x1;
	v13 =	vlaneseq.u32 @!p0;
	v20 =	vld @!p0 [tilespmem:$0x4200]  }
0x6d: {  	s24 =	sadd.s32 $0xFFFFFFFF, s24;
	v14 =	vor.u32 @!p0 $0x30, v13;
	v21 =	vld @!p0 [tilespmem:$0x4210]  }
0x6e: {  	p1 =	sne.s32 s24, $0x0;
	v15 =	vor.u32 @!p0 $0x20, v13;
	vm1 =	veq.s32 @!p0 v17, v14  }
.Ltmp0:
0x6f: {  	vm2 =	veq.s32 @!p0 v17, v15;
	v22 =	vsel @!p0 vm1, v18, v16;
	(pc) =	sbr.rel @!p1 .LBB2_2-.Ltmp0, $4  }
0x70: {  	v16 =	vor.u32 @!p0 $0x10, v13;
	vm1 =	veq.s32 @!p0 v17, v13;
	v19 =	vsel @!p0 vm2, v18, v19;
	[tilespmem:$0x42B0] =	vst @!p0 v22  }
0x71: {  	vm2 =	veq.s32 @!p0 v17, v16;
	v17 =	vsel @!p0 vm1, v18, v20;
	[tilespmem:$0x42A0] =	vst @!p0 v19  }
0x72: {  	[tilespmem:$0x4280] =	vst @!p0 v17;
	v17 =	vsel @!p0 vm2, v18, v21  }
0x73: {  	s25 =	simm.s32 @!p0 $0x0;
	s26 =	simm.s32 @!p0 $0x1;
	s28 =	simm.s32 @!p0 $0x4280;
	[tilespmem:$0x4290] =	vst @!p0 v17  }
.LBB2_1:
0x74: {  	[hbm4b:s2+s25] =	stream.linear.scatter @!p0 [tilespmem:s28], [sflag:$0x1], $0x80, $0x38;
	[tilespmem:$0x4300] =	vst v63  }
0x75: {  	s24 =	sadd.s32 $0xFFFFFFFF, s24;
	_ =	swait.ge @!p0 [sflag:s26], $0x80  }
0x76: {  	p1 =	sne.s32 s24, $0x0;
	[sflag:s26] =	ssyncset.done @!p0 $0x0  }
0x77: {  	[sflag:s26] =	ssyncadd.s32 @!p0 $0xFFFFFF80  }
0x78: {  	[tilespmem:s7], [sflag:$0x1] =	stream.linear.gather [hbm4b:s6+s5], $0x80, $0x38;
	[tilespmem:$0x4300] =	vst v63  }
0x79: {  	_ =	swait.ge [sflag:s8], $0x80  }
0x7a: {  	[sflag:s8] =	ssyncset.done $0x0  }
0x7b: {  	[sflag:s8] =	ssyncadd.s32 $0xFFFFFF80  }
0x7c: {  	[tilespmem:s9], [sflag:$0x1] =	stream.linear.gather [hbm4b:s3+s5], $0x80, $0x38;
	[tilespmem:$0x4300] =	vst v63  }
0x7d: {  	_ =	swait.ge [sflag:s8], $0x80  }
0x7e: {  	[sflag:s8] =	ssyncset.done $0x0  }
0x7f: {  	[sflag:s8] =	ssyncadd.s32 $0xFFFFFF80  }
0x80: {  	[tilespmem:s11], [sflag:$0x1] =	stream.linear.gather [hbm4b:s4+s5], $0x2000, $0x38;
	[tilespmem:$0x4300] =	vst v63  }
0x81: {  	_ =	swait.ge [sflag:s8], $0x2000  }
0x82: {  	[sflag:s8] =	ssyncset.done $0x0  }
0x83: {  	[sflag:s8] =	ssyncadd.s32 $0xFFFFE000  }
0x84: {  	v20 =	vld.idx.msk [tilespmem:v0+s7+$0x0], $0xffff  }
0x85: {  	v17 =	vld.idx.msk [tilespmem:v1+s7+$0x0], $0xffff;
	_ =	sdelay $0x5  }
0x86: {  	vm3 =	veq.s32 v4, v17;
	vm1 =	veq.s32 v7, v17;
	vm2 =	veq.s32 v12, v17;
	v19 =	vld.idx.msk [tilespmem:v2+s7+$0x0], $0xffff  }
0x87: {  	v21 =	vsel vm3, v20, v4;
	v22 =	vsel vm1, v20, v7;
	v18 =	vld.idx.msk [tilespmem:v20+s9+$0x0], $0xffff;
	v20 =	vsel vm2, v20, v12  }
0x88: {  	[tilespmem:v3+s5+$0x0] =	vst.idx.msk $0x3, v21;
	v21 =	vshll.u32 v22, $0x7;
	v20 =	vshll.u32 v20, $0x7  }
0x89: {  	v22 =	vld.msk [tilespmem:$0x0], $0x3;
	_ =	sdelay $0x3  }
0x8a: {  	v23 =	vand.u32 $0x3F, v18;
	vm3 =	vgt.s32 v18, $0x0;
	v24 =	vadd.s32 $0x3F, v18  }
0x8b: {  	v26 =	vshra.s32 v24, $0x1F;
	v27 =	vand.u32 $0x3F, v24;
	v25 =	vshll.u32 v22, $0x5  }
0x8c: {  	v22 =	vand.u32 $0x7, v22;
	v26 =	vshrl.u32 v26, $0x1A;
	v25 =	vand.u32 $0xFFFFFF00, v25  }
0x8d: {  	vm4 =	vlt.s32 v24, $0x1;
	vm5 =	vne.s32 v27, $0x0;
	v22 =	vor.u32 v22, v25  }
0x8e: {  	v24 =	vadd.s32 v26, v24;
	vm4 =	vmand vm4, vm5;
	v22 =	vperm.xlane v22, v5  }
0x8f: {  	vm5 =	vne.s32 v23, $0x0;
	v23 =	vshra.s32 v24, $0x6;
	v24 =	vsel vm4, $0xFFFFFFFF, v8  }
0x90: {  	vm3 =	vmand vm3, vm5;
	v23 =	vadd.s32 v24, v23;
	v22 =	vadd.s32 v6, v22  }
0x91: {  	vm9 =	vmand vm1, vm3;
	vm3 =	vmand vm2, vm3;
	vm4 =	vgt.s32 v23, $0x1  }
0x92: {  	v23 =	vnsel vm4, $0x1, v23  }
0x93: {  	v23 =	vadd.s32 $0xFFFFFFFF, v23  }
0x94: {  	vm5 =	veq.s32 v23, v3;
	vm1 =	veq.s32 v23, v9;
	vm2 =	veq.s32 v23, v10  }
0x95: {  	vm10 =	veq.s32 v23, v11;
	vm8 =	vmand vm9, vm1;
	vm7 =	vmand vm9, vm2;
	[tilespmem:s14], [sflag:$0x1] =	stream.indirect_vreg.gather [hbm4b:s1+s5], $0x80, v22, vm0, $0xb8;
	[tilespmem:$0x4300] =	vst v63  }
0x96: {  	vm6 =	vmand vm9, vm10;
	vm4 =	vmand vm3, vm1;
	vm2 =	vmand vm3, vm2  }
0x97: {  	vm1 =	vmand vm3, vm10;
	[tilespmem:s15], [sflag:$0x1] =	stream.indirect_vreg.gather [hbm4b:s12+s5], $0x80, v22, vm0, $0xb8;
	[tilespmem:$0x4300] =	vst v63  }
0x98: {  	_ = 	snop  }
0x99: {  	[tilespmem:s16], [sflag:$0x1] =	stream.indirect_vreg.gather [hbm4b:s13+s5], $0x80, v22, vm0, $0xb8;
	[tilespmem:$0x4300] =	vst v63  }
0x9a: {  	_ = 	snop  }
0x9b: {  	[tilespmem:s18], [sflag:$0x1] =	stream.indirect_vreg.gather [hbm4b:s17+s5], $0x80, v22, vm0, $0xb8;
	[tilespmem:$0x4300] =	vst v63  }
0x9c: {  	_ =	swait.ge [sflag:s8], $0x2000  }
0x9d: {  	[sflag:s8] =	ssyncset.done $0x0  }
0x9e: {  	v22 =	vor.u32 v3, v21;
	[sflag:s8] =	ssyncadd.s32 $0xFFFFE000  }
0x9f: {  	[hbm4b:s19+s20] =	stream.strided.scatter [tilespmem:s14], [sflag:$0x1], $0x2000, s21, s20, $0x38;
	[tilespmem:$0x4300] =	vst v63  }
0xa0: {  	_ =	swait.ge [sflag:s8], $0x2000  }
0xa1: {  	[sflag:s8] =	ssyncset.done $0x0  }
0xa2: {  	[sflag:s8] =	ssyncadd.s32 $0xFFFFE000  }
0xa3: {  	v22 =	vld.idx.msk [tilespmem:v22+s11+$0x0], $0xffff;
	_ =	sdelay $0x2  }
0xa4: {  	v23 =	vor.u32 v9, v21;
	_ =	sdelay $0x1  }
0xa5: {  	vm9 =	vmand vm9, vm5  }
0xa6: {  	v22 =	vsel vm9, v19, v22  }
0xa7: {  	[tilespmem:$0x2080] =	vst v22  }
0xa8: {  	v22 =	vld.idx.msk [tilespmem:v23+s11+$0x0], $0xffff;
	_ =	sdelay $0x2  }
0xa9: {  	v23 =	vor.u32 v10, v21;
	_ =	sdelay $0x2  }
0xaa: {  	v22 =	vsel vm8, v19, v22  }
0xab: {  	[tilespmem:$0x2090] =	vst v22  }
0xac: {  	v22 =	vld.idx.msk [tilespmem:v23+s11+$0x0], $0xffff;
	_ =	sdelay $0x2  }
0xad: {  	v21 =	vor.u32 v11, v21;
	_ =	sdelay $0x2  }
0xae: {  	v22 =	vsel vm7, v19, v22  }
0xaf: {  	[tilespmem:$0x20A0] =	vst v22  }
0xb0: {  	v21 =	vld.idx.msk [tilespmem:v21+s11+$0x0], $0xffff;
	_ =	sdelay $0x2  }
0xb1: {  	v22 =	vor.u32 v3, v20;
	_ =	sdelay $0x2  }
0xb2: {  	v21 =	vsel vm6, v19, v21  }
0xb3: {  	[tilespmem:$0x20B0] =	vst v21  }
0xb4: {  	v21 =	vld.idx.msk [tilespmem:v22+s11+$0x0], $0xffff;
	_ =	sdelay $0x2  }
0xb5: {  	v22 =	vor.u32 v9, v20;
	_ =	sdelay $0x1  }
0xb6: {  	vm3 =	vmand vm3, vm5  }
0xb7: {  	v21 =	vsel vm3, v19, v21  }
0xb8: {  	[tilespmem:$0x2100] =	vst v21  }
0xb9: {  	v21 =	vld.idx.msk [tilespmem:v22+s11+$0x0], $0xffff;
	_ =	sdelay $0x2  }
0xba: {  	v22 =	vor.u32 v10, v20;
	_ =	sdelay $0x2  }
0xbb: {  	v21 =	vsel vm4, v19, v21  }
0xbc: {  	[tilespmem:$0x2110] =	vst v21  }
0xbd: {  	v21 =	vld.idx.msk [tilespmem:v22+s11+$0x0], $0xffff;
	_ =	sdelay $0x2  }
0xbe: {  	v20 =	vor.u32 v11, v20;
	_ =	sdelay $0x2  }
0xbf: {  	v21 =	vsel vm2, v19, v21  }
0xc0: {  	[tilespmem:$0x2120] =	vst v21  }
0xc1: {  	v20 =	vld.idx.msk [tilespmem:v20+s11+$0x0], $0xffff;
	_ =	sdelay $0x5  }
0xc2: {  	v19 =	vsel vm1, v19, v20  }
0xc3: {  	[tilespmem:$0x2130] =	vst v19  }
0xc4: {  	[hbm4b:s22+s5] =	stream.linear.scatter [tilespmem:s23], [sflag:$0x1], $0x100, $0x38;
	[tilespmem:$0x4300] =	vst v63  }
0xc5: {  	_ =	swait.ge [sflag:s8], $0x100  }
0xc6: {  	[sflag:s8] =	ssyncset.done $0x0  }
0xc7: {  	[sflag:s8] =	ssyncadd.s32 $0xFFFFFF00  }
0xc8: {  	v19 =	vld @!p0 [tilespmem:$0x4230]  }
0xc9: {  	v20 =	vld @!p0 [tilespmem:$0x4220]  }
0xca: {  	v21 =	vld @!p0 [tilespmem:$0x4200]  }
0xcb: {  	v22 =	vld @!p0 [tilespmem:$0x4210]  }
0xcc: {  	vm1 =	veq.s32 @!p0 v17, v14  }
.Ltmp1:
0xcd: {  	vm2 =	veq.s32 @!p0 v17, v15;
	v19 =	vsel @!p0 vm1, v18, v19;
	(pc) =	sbr.rel @p1 .LBB2_1-.Ltmp1, $4  }
0xce: {  	vm3 =	veq.s32 @!p0 v17, v16;
	vm1 =	veq.s32 @!p0 v17, v13;
	v17 =	vsel @!p0 vm2, v18, v20;
	[tilespmem:$0x42B0] =	vst @!p0 v19  }
0xcf: {  	v19 =	vsel @!p0 vm1, v18, v21;
	[tilespmem:$0x42A0] =	vst @!p0 v17  }
0xd0: {  	[tilespmem:$0x4280] =	vst @!p0 v19;
	v17 =	vsel @!p0 vm3, v18, v22  }
0xd1: {  	[tilespmem:$0x4290] =	vst @!p0 v17  }
.LBB2_2:
0xd2: {  	[hbm4b:s2+s25] =	stream.linear.scatter @!p0 [tilespmem:s28], [sflag:$0x1], $0x80, $0x38;
	[tilespmem:$0x4300] =	vst v63  }
0xd3: {  	_ =	swait.ge @!p0 [sflag:s26], $0x80  }
0xd4: {  	[sflag:s26] =	ssyncset.done @!p0 $0x0  }
0xd5: {  	[sflag:s26] =	ssyncadd.s32 @!p0 $0xFFFFFF80  }
0xd6: {  	_ =	sfence.sel $0x180000  }
0xd7: {  	[bflag:$0x0] =	sbarrier.arrive $0xFFFF  }
0xd8: {  	p0 =	sne.s32 s10, $0x0;
	_ =	strace $0x90000047  }
0xd9: {  	s0 =	sadd.s32 @!p0 $0x100000, s0;
	[bflag:$0x2] =	sbarrier.arrive $0xFFFF  }
0xda: {  	[sflag:s0] =	ssyncadd.tile.s32 @!p0 $0x1;
	_ =	shalt  }
.Lfunc_end2:
_tile_overlayer_lowered:
.L_overlay_start_2:
0xdb: {  	(tag) =	ssettag $0x2  }
0xdc: {  	s0 =	rddreg [dreg:$0x0];
	s2 =	stileid.u32  }
0xdd: {  	s1 =	rddreg [dreg:$0x1];
	p0 =	sne.s32 s2, $0x0  }
0xde: {  	s3 =	rddreg [dreg:$0x2];
	[bflag:$0x3] =	sbarrier.arrive $0xFFFF;
	s2 =	simm.s32 @!p0 $0x1C01  }
0xdf: {  	[timem:s3], [sflag:s2] =	dma.local @!p0 [hbm:s0], s1  }
0xe0: {  	s0 =	simm.s32 @!p0 $0x1  }
0xe1: {  	_ =	swait.ge @!p0 [sflag:s0], s1  }
0xe2: {  	s1 =	ssub.s32 @!p0 $0x0, s1;
	[sflag:s0] =	ssyncset.done @!p0 $0x0  }
0xe3: {  	[sflag:s0] =	ssyncadd.s32 @!p0 s1  }
0xe4: {  	[bflag:$0x3] =	sbarrier.arrive $0xFFFF  }
0xe5: {  	_ =	shalt  }

</sc_bundles>
